<compile_context>
chip_gen: v7x
topology: tpu7x:2x2x1
jax: 0.10.2.dev20260603
libtpu: 0.0.44.dev20260713+nightly
codegen_flags: <defaults>
</compile_context>

<pallas_src>
import functools

import jax
import jax.numpy as jnp
from jax import lax
from jax.experimental import pallas as pl
from jax.experimental.pallas import tpu as pltpu
from jax.experimental.pallas import tpu_sc as plsc

_NC, _NS, _L = 2, 16, 16
_NW = _NC * _NS
_CHUNK = 8


def kernel(x, emb, offset=0):
    batch, seq, dim = x.shape
    half = dim // 2
    x2 = x.reshape(batch, seq * 2, half)
    emb2 = emb.reshape(emb.shape[0] * 2, half)
    off_arr = jnp.full((_L,), offset, jnp.int32)
    rows_per_w = seq // _NW
    n_chunks = rows_per_w // _CHUNK
    n_vec = half // _L
    mesh = plsc.VectorSubcoreMesh(core_axis_name="c", subcore_axis_name="s")

    @functools.partial(
        pl.kernel,
        out_type=jax.ShapeDtypeStruct(x2.shape, x.dtype),
        mesh=mesh,
        scratch_types=[
            pltpu.VMEM((2 * _CHUNK, half), jnp.float32),
            pltpu.VMEM((2 * _CHUNK, half), jnp.float32),
            pltpu.VMEM((_L,), jnp.int32),
            pltpu.VMEM((_L,), jnp.int32),
            pltpu.SemaphoreType.DMA,
            pltpu.SemaphoreType.DMA,
        ],
    )
    def _sc(off_hbm, x_hbm, emb_hbm, out_hbm, xv, ev, idx, off_v, sem, gsem):
        wid = lax.axis_index("s") * _NC + lax.axis_index("c")
        pltpu.sync_copy(off_hbm, off_v)
        base = wid * rows_per_w

        def chunk_body(c, carry):
            row0 = base + c * _CHUNK
            idx[...] = 2 * (off_v[...] + row0) + lax.broadcasted_iota(
                jnp.int32, (_L,), 0
            )
            pltpu.async_copy(emb_hbm.at[idx], ev, gsem).wait()

            def batch_body(b, carry2):
                pltpu.async_copy(
                    x_hbm.at[b, pl.ds(2 * row0, 2 * _CHUNK), :], xv, sem
                ).wait()

                def add_body(v, carry3):
                    s = pl.ds(v * _L, _L)
                    for r in range(2 * _CHUNK):
                        xv.at[r][s] = xv.at[r][s] + ev.at[r][s]
                    return carry3

                lax.fori_loop(0, n_vec, add_body, 0)
                pltpu.async_copy(
                    xv, out_hbm.at[b, pl.ds(2 * row0, 2 * _CHUNK), :], sem
                ).wait()
                return carry2

            lax.fori_loop(0, batch, batch_body, 0)
            return carry

        lax.fori_loop(0, n_chunks, chunk_body, 0)

    out2 = _sc(off_arr, x2, emb2)
    return out2.reshape(batch, seq, dim)

# --- scband reference (transcript-rebuilt; emitter-appended) ---
"""Pipeline reference for scband-learned-positional-encoding-59442347377598 (READ-ONLY COPY).

The authoritative reference and input builder live on the scoring server;
editing this copy changes nothing except your own understanding.
"""

import jax, jax.numpy as jnp
import numpy as np

DIM = 4096
MAX_LEN = 8192
BATCH = 4
SEQ_LEN = 4096

def setup_inputs(seed: int = 0) -> dict:
    key = jax.random.key(seed)
    k1, k2 = jax.random.split(key)
    x = jax.random.normal(k1, (BATCH, SEQ_LEN, DIM), dtype=jnp.float32)
    emb = jax.random.normal(k2, (MAX_LEN, DIM), dtype=jnp.float32) * 0.02
    return {"x": x, "emb": emb, "offset": 0}

def reference(x, emb, offset=0):
    # Faithful translation of LearnedPositionalEncoding.forward:
    #   pos = arange(offset, offset + seq_len)
    #   return x + emb(pos)[None].to(x.dtype)
    seq_len = x.shape[1]
    pos = offset + jnp.arange(seq_len)
    pos_emb = jnp.take(emb, pos, axis=0)  # gather -> embedding lookup
    return x + pos_emb[None, :, :].astype(x.dtype)

if __name__ == "__main__":
    import jax
    _d = setup_inputs()
    print(jax.jit(kernel)(*tuple(_d.values())))

</pallas_src>

<mosaic_0001>
#map = affine_map<(d0, d1) -> (0)>
#map1 = affine_map<(d0, d1) -> (0, 0, 0)>
#map2 = affine_map<(d0, d1) -> (0, 0)>
module attributes {stable_mosaic.version = 14 : i64} {
  func.func @_sc(%arg0: i32, %arg1: i32, %arg2: memref<16xi32, #tpu.memory_space<hbm>>, %arg3: memref<4x8192x2048xf32, #tpu.memory_space<hbm>>, %arg4: memref<16384x2048xf32, #tpu.memory_space<hbm>>, %arg5: memref<4x8192x2048xf32, #tpu.memory_space<hbm>>, %arg6: memref<16x2048xf32, #tpu.memory_space<vmem>>, %arg7: memref<16x2048xf32, #tpu.memory_space<vmem>>, %arg8: memref<16xi32, #tpu.memory_space<vmem>>, %arg9: memref<16xi32, #tpu.memory_space<vmem>>, %arg10: memref<!tpu.dma_semaphore, #tpu.memory_space<semaphore_mem>>, %arg11: memref<!tpu.dma_semaphore, #tpu.memory_space<semaphore_mem>>) attributes {dimension_semantics = [#tpu.dimension_semantics<core_parallel>, #tpu.dimension_semantics<subcore_parallel>], iteration_bounds = array<i64: 2, 16>, scalar_prefetch = 0 : i64, scratch_operands = 6 : i64, tpu.core_type = #tpu.core_type<sc_vector_subcore>, window_params = [{transform_indices = #map}, {transform_indices = #map1}, {transform_indices = #map2}, {transform_indices = #map1}]} {
    %mul3A = arith.constant 2 : i32
    %mul3A_0 = arith.muli %arg1, %mul3A : i32
    %add3A = arith.addi %mul3A_0, %arg0 : i32
    "tpu.region"() ({
      %run_scoped3A = tpu.sem_alloc : memref<!tpu.dma_semaphore, #tpu.memory_space<semaphore_mem>>
      tpu.enqueue_dma source(%arg2 : memref<16xi32, #tpu.memory_space<hbm>>) target(%arg9 : memref<16xi32, #tpu.memory_space<vmem>>) target_semaphore(%run_scoped3A : memref<!tpu.dma_semaphore, #tpu.memory_space<semaphore_mem>>)
      tpu.wait_dma2 semaphore(%run_scoped3A : memref<!tpu.dma_semaphore, #tpu.memory_space<semaphore_mem>>) src(%arg2 : memref<16xi32, #tpu.memory_space<hbm>>) dst(%arg9 : memref<16xi32, #tpu.memory_space<vmem>>)
      tpu.yield
    }) : () -> ()
    %mul3A_1 = arith.constant 128 : i32
    %mul3A_2 = arith.muli %add3A, %mul3A_1 : i32
    %scan3A = arith.constant 0 : i32
    %scan3A_3 = arith.constant 0 : i32
    %scan3A_4 = arith.constant 16 : i32
    %scan3A_5 = arith.addi %scan3A_3, %scan3A_4 : i32
    %scan3A_6 = arith.constant 1 : i32
    scf.for %scan3A_8 = %scan3A_3 to %scan3A_5 step %scan3A_6  : i32 {
      %mul3A_9 = arith.constant 8 : i32
      %mul3A_10 = arith.muli %scan3A_8, %mul3A_9 : i32
      %add3A_11 = arith.addi %mul3A_2, %mul3A_10 : i32
      %get3A = arith.constant 0 : index
      %get3A_12 = tpu.vector_load %arg9[%get3A] {strides = array<i32>} : memref<16xi32, #tpu.memory_space<vmem>>, vector<16xi32>,
      %get3A_13 = vector.shape_cast %get3A_12 : vector<16xi32> to vector<16xi32>
      %add3A_14 = vector.broadcast %add3A_11 : i32 to vector<16xi32>
      %add3A_15 = arith.addi %get3A_13, %add3A_14 : vector<16xi32>
      %mul3A_16 = arith.constant 2 : i32
      %mul3A_17 = vector.broadcast %mul3A_16 : i32 to vector<16xi32>
      %mul3A_18 = arith.muli %mul3A_17, %add3A_15 : vector<16xi32>
      %iota3A = tpu.iota {dimensions = array<i32: 0>} : vector<16xi32>
      %add3A_19 = arith.addi %mul3A_18, %iota3A : vector<16xi32>
      %swap3A = arith.constant 0 : index
      %swap3A_20 = tpu.vector_load %arg8[%swap3A] {strides = array<i32>} : memref<16xi32, #tpu.memory_space<vmem>>, vector<16xi32>,
      %swap3A_21 = vector.shape_cast %swap3A_20 : vector<16xi32> to vector<16xi32>
      %swap3A_22 = vector.shape_cast %add3A_19 : vector<16xi32> to vector<16xi32>
      tpu.vector_store %arg8[%swap3A], %swap3A_22 {strides = array<i32>} : memref<16xi32, #tpu.memory_space<vmem>>, vector<16xi32>,
      %dma_start3A = arith.constant 0 : i32
      %dma_start3A_23 = arith.constant 0 : i32
      %dma_start3A_24 = tpu.memref_slice %arg4[%dma_start3A, %dma_start3A_23] : memref<16384x2048xf32, #tpu.memory_space<hbm>> -> memref<16384x2048xf32, #tpu.memory_space<hbm>>
      tpu.enqueue_indirect_dma source(%dma_start3A_24 : memref<16384x2048xf32, #tpu.memory_space<hbm>>) target(%arg7 : memref<16x2048xf32, #tpu.memory_space<vmem>>) offsets(%arg8 : memref<16xi32, #tpu.memory_space<vmem>>) semaphore(%arg11 : memref<!tpu.dma_semaphore, #tpu.memory_space<semaphore_mem>>)
      %dma_wait3A = arith.constant 0 : i32
      %dma_wait3A_25 = arith.constant 0 : i32
      %dma_wait3A_26 = tpu.memref_slice %arg4[%dma_wait3A, %dma_wait3A_25] : memref<16384x2048xf32, #tpu.memory_space<hbm>> -> memref<16384x2048xf32, #tpu.memory_space<hbm>>
      tpu.wait_indirect_dma semaphore(%arg11 : memref<!tpu.dma_semaphore, #tpu.memory_space<semaphore_mem>>) src(%dma_wait3A_26 : memref<16384x2048xf32, #tpu.memory_space<hbm>>) dst(%arg7 : memref<16x2048xf32, #tpu.memory_space<vmem>>)
      %scan3A_27 = arith.constant 0 : i32
      %scan3A_28 = arith.constant 0 : i32
      %scan3A_29 = arith.constant 4 : i32
      %scan3A_30 = arith.addi %scan3A_28, %scan3A_29 : i32
      %scan3A_31 = arith.constant 1 : i32
      scf.for %scan3A_33 = %scan3A_28 to %scan3A_30 step %scan3A_31  : i32 {
        %mul3A_34 = arith.constant 2 : i32
        %mul3A_35 = arith.muli %mul3A_34, %add3A_11 : i32
        %dma_start3A_36 = arith.constant 0 : i32
        %dma_start3A_37 = tpu.memref_slice %arg3[%scan3A_33, %mul3A_35, %dma_start3A_36] : memref<4x8192x2048xf32, #tpu.memory_space<hbm>> -> memref<1x16x2048xf32, #tpu.memory_space<hbm>>
        %dma_start3A_38 = tpu.memref_squeeze %dma_start3A_37 : memref<1x16x2048xf32, #tpu.memory_space<hbm>> -> memref<16x2048xf32, #tpu.memory_space<hbm>>
        %dma_start3A_39 = arith.constant 0 : i32
        %dma_start3A_40 = tpu.memref_slice %arg3[%scan3A_33, %mul3A_35, %dma_start3A_39] : memref<4x8192x2048xf32, #tpu.memory_space<hbm>> -> memref<1x16x2048xf32, #tpu.memory_space<hbm>>
        %dma_start3A_41 = tpu.memref_squeeze %dma_start3A_40 : memref<1x16x2048xf32, #tpu.memory_space<hbm>> -> memref<16x2048xf32, #tpu.memory_space<hbm>>
        tpu.enqueue_dma source(%dma_start3A_41 : memref<16x2048xf32, #tpu.memory_space<hbm>>) target(%arg6 : memref<16x2048xf32, #tpu.memory_space<vmem>>) target_semaphore(%arg10 : memref<!tpu.dma_semaphore, #tpu.memory_space<semaphore_mem>>)
        %dma_wait3A_42 = arith.constant 0 : i32
        %dma_wait3A_43 = tpu.memref_slice %arg3[%scan3A_33, %mul3A_35, %dma_wait3A_42] : memref<4x8192x2048xf32, #tpu.memory_space<hbm>> -> memref<1x16x2048xf32, #tpu.memory_space<hbm>>
        %dma_wait3A_44 = tpu.memref_squeeze %dma_wait3A_43 : memref<1x16x2048xf32, #tpu.memory_space<hbm>> -> memref<16x2048xf32, #tpu.memory_space<hbm>>
        %dma_wait3A_45 = arith.constant 0 : i32
        %dma_wait3A_46 = tpu.memref_slice %arg3[%scan3A_33, %mul3A_35, %dma_wait3A_45] : memref<4x8192x2048xf32, #tpu.memory_space<hbm>> -> memref<1x16x2048xf32, #tpu.memory_space<hbm>>
        %dma_wait3A_47 = tpu.memref_squeeze %dma_wait3A_46 : memref<1x16x2048xf32, #tpu.memory_space<hbm>> -> memref<16x2048xf32, #tpu.memory_space<hbm>>
        tpu.wait_dma2 semaphore(%arg10 : memref<!tpu.dma_semaphore, #tpu.memory_space<semaphore_mem>>) src(%dma_wait3A_47 : memref<16x2048xf32, #tpu.memory_space<hbm>>) dst(%arg6 : memref<16x2048xf32, #tpu.memory_space<vmem>>)
        %scan3A_48 = arith.constant 0 : i32
        %scan3A_49 = arith.constant 0 : i32
        %scan3A_50 = arith.constant 128 : i32
        %scan3A_51 = arith.addi %scan3A_49, %scan3A_50 : i32
        %scan3A_52 = arith.constant 1 : i32
        scf.for %scan3A_68 = %scan3A_49 to %scan3A_51 step %scan3A_52  : i32 {
          %mul3A_69 = arith.constant 16 : i32
          %mul3A_70 = arith.muli %scan3A_68, %mul3A_69 : i32
          %get3A_71 = arith.constant 0 : i32
          %get3A_72 = arith.constant 0 : i32
          %get3A_73 = tpu.memref_slice %arg6[%get3A_71, %get3A_72] : memref<16x2048xf32, #tpu.memory_space<vmem>> -> memref<1x2048xf32, #tpu.memory_space<vmem>>
          %get3A_74 = tpu.memref_squeeze %get3A_73 : memref<1x2048xf32, #tpu.memory_space<vmem>> -> memref<2048xf32, #tpu.memory_space<vmem>>
          %get3A_75 = arith.index_cast %mul3A_70 : i32 to index
          %get3A_76 = tpu.vector_load %get3A_74[%get3A_75] {strides = array<i32>} : memref<2048xf32, #tpu.memory_space<vmem>>, vector<16xf32>,
          %get3A_77 = vector.shape_cast %get3A_76 : vector<16xf32> to vector<16xf32>
          %get3A_78 = arith.constant 0 : i32
          %get3A_79 = arith.constant 0 : i32
          %get3A_80 = tpu.memref_slice %arg7[%get3A_78, %get3A_79] : memref<16x2048xf32, #tpu.memory_space<vmem>> -> memref<1x2048xf32, #tpu.memory_space<vmem>>
          %get3A_81 = tpu.memref_squeeze %get3A_80 : memref<1x2048xf32, #tpu.memory_space<vmem>> -> memref<2048xf32, #tpu.memory_space<vmem>>
          %get3A_82 = arith.index_cast %mul3A_70 : i32 to index
          %get3A_83 = tpu.vector_load %get3A_81[%get3A_82] {strides = array<i32>} : memref<2048xf32, #tpu.memory_space<vmem>>, vector<16xf32>,
          %get3A_84 = vector.shape_cast %get3A_83 : vector<16xf32> to vector<16xf32>
          %add3A_85 = arith.addf %get3A_77, %get3A_84 : vector<16xf32>
          %swap3A_86 = arith.constant 0 : i32
          %swap3A_87 = arith.constant 0 : i32
          %swap3A_88 = tpu.memref_slice %arg6[%swap3A_86, %swap3A_87] : memref<16x2048xf32, #tpu.memory_space<vmem>> -> memref<1x2048xf32, #tpu.memory_space<vmem>>
          %swap3A_89 = tpu.memref_squeeze %swap3A_88 : memref<1x2048xf32, #tpu.memory_space<vmem>> -> memref<2048xf32, #tpu.memory_space<vmem>>
          %swap3A_90 = arith.index_cast %mul3A_70 : i32 to index
          %swap3A_91 = tpu.vector_load %swap3A_89[%swap3A_90] {strides = array<i32>} : memref<2048xf32, #tpu.memory_space<vmem>>, vector<16xf32>,
          %swap3A_92 = vector.shape_cast %swap3A_91 : vector<16xf32> to vector<16xf32>
          %swap3A_93 = vector.shape_cast %add3A_85 : vector<16xf32> to vector<16xf32>
          tpu.vector_store %swap3A_89[%swap3A_90], %swap3A_93 {strides = array<i32>} : memref<2048xf32, #tpu.memory_space<vmem>>, vector<16xf32>,
          %get3A_94 = arith.constant 1 : i32
          %get3A_95 = arith.constant 0 : i32
          %get3A_96 = tpu.memref_slice %arg6[%get3A_94, %get3A_95] : memref<16x2048xf32, #tpu.memory_space<vmem>> -> memref<1x2048xf32, #tpu.memory_space<vmem>>
          %get3A_97 = tpu.memref_squeeze %get3A_96 : memref<1x2048xf32, #tpu.memory_space<vmem>> -> memref<2048xf32, #tpu.memory_space<vmem>>
          %get3A_98 = arith.index_cast %mul3A_70 : i32 to index
          %get3A_99 = tpu.vector_load %get3A_97[%get3A_98] {strides = array<i32>} : memref<2048xf32, #tpu.memory_space<vmem>>, vector<16xf32>,
          %get3A_100 = vector.shape_cast %get3A_99 : vector<16xf32> to vector<16xf32>
          %get3A_101 = arith.constant 1 : i32
          %get3A_102 = arith.constant 0 : i32
          %get3A_103 = tpu.memref_slice %arg7[%get3A_101, %get3A_102] : memref<16x2048xf32, #tpu.memory_space<vmem>> -> memref<1x2048xf32, #tpu.memory_space<vmem>>
          %get3A_104 = tpu.memref_squeeze %get3A_103 : memref<1x2048xf32, #tpu.memory_space<vmem>> -> memref<2048xf32, #tpu.memory_space<vmem>>
          %get3A_105 = arith.index_cast %mul3A_70 : i32 to index
          %get3A_106 = tpu.vector_load %get3A_104[%get3A_105] {strides = array<i32>} : memref<2048xf32, #tpu.memory_space<vmem>>, vector<16xf32>,
          %get3A_107 = vector.shape_cast %get3A_106 : vector<16xf32> to vector<16xf32>
          %add3A_108 = arith.addf %get3A_100, %get3A_107 : vector<16xf32>
          %swap3A_109 = arith.constant 1 : i32
          %swap3A_110 = arith.constant 0 : i32
          %swap3A_111 = tpu.memref_slice %arg6[%swap3A_109, %swap3A_110] : memref<16x2048xf32, #tpu.memory_space<vmem>> -> memref<1x2048xf32, #tpu.memory_space<vmem>>
          %swap3A_112 = tpu.memref_squeeze %swap3A_111 : memref<1x2048xf32, #tpu.memory_space<vmem>> -> memref<2048xf32, #tpu.memory_space<vmem>>
          %swap3A_113 = arith.index_cast %mul3A_70 : i32 to index
          %swap3A_114 = tpu.vector_load %swap3A_112[%swap3A_113] {strides = array<i32>} : memref<2048xf32, #tpu.memory_space<vmem>>, vector<16xf32>,
          %swap3A_115 = vector.shape_cast %swap3A_114 : vector<16xf32> to vector<16xf32>
          %swap3A_116 = vector.shape_cast %add3A_108 : vector<16xf32> to vector<16xf32>
          tpu.vector_store %swap3A_112[%swap3A_113], %swap3A_116 {strides = array<i32>} : memref<2048xf32, #tpu.memory_space<vmem>>, vector<16xf32>,
          %get3A_117 = arith.constant 2 : i32
          %get3A_118 = arith.constant 0 : i32
          %get3A_119 = tpu.memref_slice %arg6[%get3A_117, %get3A_118] : memref<16x2048xf32, #tpu.memory_space<vmem>> -> memref<1x2048xf32, #tpu.memory_space<vmem>>
          %get3A_120 = tpu.memref_squeeze %get3A_119 : memref<1x2048xf32, #tpu.memory_space<vmem>> -> memref<2048xf32, #tpu.memory_space<vmem>>
          %get3A_121 = arith.index_cast %mul3A_70 : i32 to index
          %get3A_122 = tpu.vector_load %get3A_120[%get3A_121] {strides = array<i32>} : memref<2048xf32, #tpu.memory_space<vmem>>, vector<16xf32>,
          %get3A_123 = vector.shape_cast %get3A_122 : vector<16xf32> to vector<16xf32>
          %get3A_124 = arith.constant 2 : i32
          %get3A_125 = arith.constant 0 : i32
          %get3A_126 = tpu.memref_slice %arg7[%get3A_124, %get3A_125] : memref<16x2048xf32, #tpu.memory_space<vmem>> -> memref<1x2048xf32, #tpu.memory_space<vmem>>
          %get3A_127 = tpu.memref_squeeze %get3A_126 : memref<1x2048xf32, #tpu.memory_space<vmem>> -> memref<2048xf32, #tpu.memory_space<vmem>>
          %get3A_128 = arith.index_cast %mul3A_70 : i32 to index
          %get3A_129 = tpu.vector_load %get3A_127[%get3A_128] {strides = array<i32>} : memref<2048xf32, #tpu.memory_space<vmem>>, vector<16xf32>,
          %get3A_130 = vector.shape_cast %get3A_129 : vector<16xf32> to vector<16xf32>
          %add3A_131 = arith.addf %get3A_123, %get3A_130 : vector<16xf32>
          %swap3A_132 = arith.constant 2 : i32
          %swap3A_133 = arith.constant 0 : i32
          %swap3A_134 = tpu.memref_slice %arg6[%swap3A_132, %swap3A_133] : memref<16x2048xf32, #tpu.memory_space<vmem>> -> memref<1x2048xf32, #tpu.memory_space<vmem>>
          %swap3A_135 = tpu.memref_squeeze %swap3A_134 : memref<1x2048xf32, #tpu.memory_space<vmem>> -> memref<2048xf32, #tpu.memory_space<vmem>>
          %swap3A_136 = arith.index_cast %mul3A_70 : i32 to index
          %swap3A_137 = tpu.vector_load %swap3A_135[%swap3A_136] {strides = array<i32>} : memref<2048xf32, #tpu.memory_space<vmem>>, vector<16xf32>,
          %swap3A_138 = vector.shape_cast %swap3A_137 : vector<16xf32> to vector<16xf32>
          %swap3A_139 = vector.shape_cast %add3A_131 : vector<16xf32> to vector<16xf32>
          tpu.vector_store %swap3A_135[%swap3A_136], %swap3A_139 {strides = array<i32>} : memref<2048xf32, #tpu.memory_space<vmem>>, vector<16xf32>,
          %get3A_140 = arith.constant 3 : i32
          %get3A_141 = arith.constant 0 : i32
          %get3A_142 = tpu.memref_slice %arg6[%get3A_140, %get3A_141] : memref<16x2048xf32, #tpu.memory_space<vmem>> -> memref<1x2048xf32, #tpu.memory_space<vmem>>
          %get3A_143 = tpu.memref_squeeze %get3A_142 : memref<1x2048xf32, #tpu.memory_space<vmem>> -> memref<2048xf32, #tpu.memory_space<vmem>>
          %get3A_144 = arith.index_cast %mul3A_70 : i32 to index
          %get3A_145 = tpu.vector_load %get3A_143[%get3A_144] {strides = array<i32>} : memref<2048xf32, #tpu.memory_space<vmem>>, vector<16xf32>,
          %get3A_146 = vector.shape_cast %get3A_145 : vector<16xf32> to vector<16xf32>
          %get3A_147 = arith.constant 3 : i32
          %get3A_148 = arith.constant 0 : i32
          %get3A_149 = tpu.memref_slice %arg7[%get3A_147, %get3A_148] : memref<16x2048xf32, #tpu.memory_space<vmem>> -> memref<1x2048xf32, #tpu.memory_space<vmem>>
          %get3A_150 = tpu.memref_squeeze %get3A_149 : memref<1x2048xf32, #tpu.memory_space<vmem>> -> memref<2048xf32, #tpu.memory_space<vmem>>
          %get3A_151 = arith.index_cast %mul3A_70 : i32 to index
          %get3A_152 = tpu.vector_load %get3A_150[%get3A_151] {strides = array<i32>} : memref<2048xf32, #tpu.memory_space<vmem>>, vector<16xf32>,
          %get3A_153 = vector.shape_cast %get3A_152 : vector<16xf32> to vector<16xf32>
          %add3A_154 = arith.addf %get3A_146, %get3A_153 : vector<16xf32>
          %swap3A_155 = arith.constant 3 : i32
          %swap3A_156 = arith.constant 0 : i32
          %swap3A_157 = tpu.memref_slice %arg6[%swap3A_155, %swap3A_156] : memref<16x2048xf32, #tpu.memory_space<vmem>> -> memref<1x2048xf32, #tpu.memory_space<vmem>>
          %swap3A_158 = tpu.memref_squeeze %swap3A_157 : memref<1x2048xf32, #tpu.memory_space<vmem>> -> memref<2048xf32, #tpu.memory_space<vmem>>
          %swap3A_159 = arith.index_cast %mul3A_70 : i32 to index
          %swap3A_160 = tpu.vector_load %swap3A_158[%swap3A_159] {strides = array<i32>} : memref<2048xf32, #tpu.memory_space<vmem>>, vector<16xf32>,
          %swap3A_161 = vector.shape_cast %swap3A_160 : vector<16xf32> to vector<16xf32>
          %swap3A_162 = vector.shape_cast %add3A_154 : vector<16xf32> to vector<16xf32>
          tpu.vector_store %swap3A_158[%swap3A_159], %swap3A_162 {strides = array<i32>} : memref<2048xf32, #tpu.memory_space<vmem>>, vector<16xf32>,
          %get3A_163 = arith.constant 4 : i32
          %get3A_164 = arith.constant 0 : i32
          %get3A_165 = tpu.memref_slice %arg6[%get3A_163, %get3A_164] : memref<16x2048xf32, #tpu.memory_space<vmem>> -> memref<1x2048xf32, #tpu.memory_space<vmem>>
          %get3A_166 = tpu.memref_squeeze %get3A_165 : memref<1x2048xf32, #tpu.memory_space<vmem>> -> memref<2048xf32, #tpu.memory_space<vmem>>
          %get3A_167 = arith.index_cast %mul3A_70 : i32 to index
          %get3A_168 = tpu.vector_load %get3A_166[%get3A_167] {strides = array<i32>} : memref<2048xf32, #tpu.memory_space<vmem>>, vector<16xf32>,
          %get3A_169 = vector.shape_cast %get3A_168 : vector<16xf32> to vector<16xf32>
          %get3A_170 = arith.constant 4 : i32
          %get3A_171 = arith.constant 0 : i32
          %get3A_172 = tpu.memref_slice %arg7[%get3A_170, %get3A_171] : memref<16x2048xf32, #tpu.memory_space<vmem>> -> memref<1x2048xf32, #tpu.memory_space<vmem>>
          %get3A_173 = tpu.memref_squeeze %get3A_172 : memref<1x2048xf32, #tpu.memory_space<vmem>> -> memref<2048xf32, #tpu.memory_space<vmem>>
          %get3A_174 = arith.index_cast %mul3A_70 : i32 to index
          %get3A_175 = tpu.vector_load %get3A_173[%get3A_174] {strides = array<i32>} : memref<2048xf32, #tpu.memory_space<vmem>>, vector<16xf32>,
          %get3A_176 = vector.shape_cast %get3A_175 : vector<16xf32> to vector<16xf32>
          %add3A_177 = arith.addf %get3A_169, %get3A_176 : vector<16xf32>
          %swap3A_178 = arith.constant 4 : i32
          %swap3A_179 = arith.constant 0 : i32
          %swap3A_180 = tpu.memref_slice %arg6[%swap3A_178, %swap3A_179] : memref<16x2048xf32, #tpu.memory_space<vmem>> -> memref<1x2048xf32, #tpu.memory_space<vmem>>
          %swap3A_181 = tpu.memref_squeeze %swap3A_180 : memref<1x2048xf32, #tpu.memory_space<vmem>> -> memref<2048xf32, #tpu.memory_space<vmem>>
          %swap3A_182 = arith.index_cast %mul3A_70 : i32 to index
          %swap3A_183 = tpu.vector_load %swap3A_181[%swap3A_182] {strides = array<i32>} : memref<2048xf32, #tpu.memory_space<vmem>>, vector<16xf32>,
          %swap3A_184 = vector.shape_cast %swap3A_183 : vector<16xf32> to vector<16xf32>
          %swap3A_185 = vector.shape_cast %add3A_177 : vector<16xf32> to vector<16xf32>
          tpu.vector_store %swap3A_181[%swap3A_182], %swap3A_185 {strides = array<i32>} : memref<2048xf32, #tpu.memory_space<vmem>>, vector<16xf32>,
          %get3A_186 = arith.constant 5 : i32
          %get3A_187 = arith.constant 0 : i32
          %get3A_188 = tpu.memref_slice %arg6[%get3A_186, %get3A_187] : memref<16x2048xf32, #tpu.memory_space<vmem>> -> memref<1x2048xf32, #tpu.memory_space<vmem>>
          %get3A_189 = tpu.memref_squeeze %get3A_188 : memref<1x2048xf32, #tpu.memory_space<vmem>> -> memref<2048xf32, #tpu.memory_space<vmem>>
          %get3A_190 = arith.index_cast %mul3A_70 : i32 to index
          %get3A_191 = tpu.vector_load %get3A_189[%get3A_190] {strides = array<i32>} : memref<2048xf32, #tpu.memory_space<vmem>>, vector<16xf32>,
          %get3A_192 = vector.shape_cast %get3A_191 : vector<16xf32> to vector<16xf32>
          %get3A_193 = arith.constant 5 : i32
          %get3A_194 = arith.constant 0 : i32
          %get3A_195 = tpu.memref_slice %arg7[%get3A_193, %get3A_194] : memref<16x2048xf32, #tpu.memory_space<vmem>> -> memref<1x2048xf32, #tpu.memory_space<vmem>>
          %get3A_196 = tpu.memref_squeeze %get3A_195 : memref<1x2048xf32, #tpu.memory_space<vmem>> -> memref<2048xf32, #tpu.memory_space<vmem>>
          %get3A_197 = arith.index_cast %mul3A_70 : i32 to index
          %get3A_198 = tpu.vector_load %get3A_196[%get3A_197] {strides = array<i32>} : memref<2048xf32, #tpu.memory_space<vmem>>, vector<16xf32>,
          %get3A_199 = vector.shape_cast %get3A_198 : vector<16xf32> to vector<16xf32>
          %add3A_200 = arith.addf %get3A_192, %get3A_199 : vector<16xf32>
          %swap3A_201 = arith.constant 5 : i32
          %swap3A_202 = arith.constant 0 : i32
          %swap3A_203 = tpu.memref_slice %arg6[%swap3A_201, %swap3A_202] : memref<16x2048xf32, #tpu.memory_space<vmem>> -> memref<1x2048xf32, #tpu.memory_space<vmem>>
          %swap3A_204 = tpu.memref_squeeze %swap3A_203 : memref<1x2048xf32, #tpu.memory_space<vmem>> -> memref<2048xf32, #tpu.memory_space<vmem>>
          %swap3A_205 = arith.index_cast %mul3A_70 : i32 to index
          %swap3A_206 = tpu.vector_load %swap3A_204[%swap3A_205] {strides = array<i32>} : memref<2048xf32, #tpu.memory_space<vmem>>, vector<16xf32>,
          %swap3A_207 = vector.shape_cast %swap3A_206 : vector<16xf32> to vector<16xf32>
          %swap3A_208 = vector.shape_cast %add3A_200 : vector<16xf32> to vector<16xf32>
          tpu.vector_store %swap3A_204[%swap3A_205], %swap3A_208 {strides = array<i32>} : memref<2048xf32, #tpu.memory_space<vmem>>, vector<16xf32>,
          %get3A_209 = arith.constant 6 : i32
          %get3A_210 = arith.constant 0 : i32
          %get3A_211 = tpu.memref_slice %arg6[%get3A_209, %get3A_210] : memref<16x2048xf32, #tpu.memory_space<vmem>> -> memref<1x2048xf32, #tpu.memory_space<vmem>>
          %get3A_212 = tpu.memref_squeeze %get3A_211 : memref<1x2048xf32, #tpu.memory_space<vmem>> -> memref<2048xf32, #tpu.memory_space<vmem>>
          %get3A_213 = arith.index_cast %mul3A_70 : i32 to index
          %get3A_214 = tpu.vector_load %get3A_212[%get3A_213] {strides = array<i32>} : memref<2048xf32, #tpu.memory_space<vmem>>, vector<16xf32>,
          %get3A_215 = vector.shape_cast %get3A_214 : vector<16xf32> to vector<16xf32>
          %get3A_216 = arith.constant 6 : i32
          %get3A_217 = arith.constant 0 : i32
          %get3A_218 = tpu.memref_slice %arg7[%get3A_216, %get3A_217] : memref<16x2048xf32, #tpu.memory_space<vmem>> -> memref<1x2048xf32, #tpu.memory_space<vmem>>
          %get3A_219 = tpu.memref_squeeze %get3A_218 : memref<1x2048xf32, #tpu.memory_space<vmem>> -> memref<2048xf32, #tpu.memory_space<vmem>>
          %get3A_220 = arith.index_cast %mul3A_70 : i32 to index
          %get3A_221 = tpu.vector_load %get3A_219[%get3A_220] {strides = array<i32>} : memref<2048xf32, #tpu.memory_space<vmem>>, vector<16xf32>,
          %get3A_222 = vector.shape_cast %get3A_221 : vector<16xf32> to vector<16xf32>
          %add3A_223 = arith.addf %get3A_215, %get3A_222 : vector<16xf32>
          %swap3A_224 = arith.constant 6 : i32
          %swap3A_225 = arith.constant 0 : i32
          %swap3A_226 = tpu.memref_slice %arg6[%swap3A_224, %swap3A_225] : memref<16x2048xf32, #tpu.memory_space<vmem>> -> memref<1x2048xf32, #tpu.memory_space<vmem>>
          %swap3A_227 = tpu.memref_squeeze %swap3A_226 : memref<1x2048xf32, #tpu.memory_space<vmem>> -> memref<2048xf32, #tpu.memory_space<vmem>>
          %swap3A_228 = arith.index_cast %mul3A_70 : i32 to index
          %swap3A_229 = tpu.vector_load %swap3A_227[%swap3A_228] {strides = array<i32>} : memref<2048xf32, #tpu.memory_space<vmem>>, vector<16xf32>,
          %swap3A_230 = vector.shape_cast %swap3A_229 : vector<16xf32> to vector<16xf32>
          %swap3A_231 = vector.shape_cast %add3A_223 : vector<16xf32> to vector<16xf32>
          tpu.vector_store %swap3A_227[%swap3A_228], %swap3A_231 {strides = array<i32>} : memref<2048xf32, #tpu.memory_space<vmem>>, vector<16xf32>,
          %get3A_232 = arith.constant 7 : i32
          %get3A_233 = arith.constant 0 : i32
          %get3A_234 = tpu.memref_slice %arg6[%get3A_232, %get3A_233] : memref<16x2048xf32, #tpu.memory_space<vmem>> -> memref<1x2048xf32, #tpu.memory_space<vmem>>
          %get3A_235 = tpu.memref_squeeze %get3A_234 : memref<1x2048xf32, #tpu.memory_space<vmem>> -> memref<2048xf32, #tpu.memory_space<vmem>>
          %get3A_236 = arith.index_cast %mul3A_70 : i32 to index
          %get3A_237 = tpu.vector_load %get3A_235[%get3A_236] {strides = array<i32>} : memref<2048xf32, #tpu.memory_space<vmem>>, vector<16xf32>,
          %get3A_238 = vector.shape_cast %get3A_237 : vector<16xf32> to vector<16xf32>
          %get3A_239 = arith.constant 7 : i32
          %get3A_240 = arith.constant 0 : i32
          %get3A_241 = tpu.memref_slice %arg7[%get3A_239, %get3A_240] : memref<16x2048xf32, #tpu.memory_space<vmem>> -> memref<1x2048xf32, #tpu.memory_space<vmem>>
          %get3A_242 = tpu.memref_squeeze %get3A_241 : memref<1x2048xf32, #tpu.memory_space<vmem>> -> memref<2048xf32, #tpu.memory_space<vmem>>
          %get3A_243 = arith.index_cast %mul3A_70 : i32 to index
          %get3A_244 = tpu.vector_load %get3A_242[%get3A_243] {strides = array<i32>} : memref<2048xf32, #tpu.memory_space<vmem>>, vector<16xf32>,
          %get3A_245 = vector.shape_cast %get3A_244 : vector<16xf32> to vector<16xf32>
          %add3A_246 = arith.addf %get3A_238, %get3A_245 : vector<16xf32>
          %swap3A_247 = arith.constant 7 : i32
          %swap3A_248 = arith.constant 0 : i32
          %swap3A_249 = tpu.memref_slice %arg6[%swap3A_247, %swap3A_248] : memref<16x2048xf32, #tpu.memory_space<vmem>> -> memref<1x2048xf32, #tpu.memory_space<vmem>>
          %swap3A_250 = tpu.memref_squeeze %swap3A_249 : memref<1x2048xf32, #tpu.memory_space<vmem>> -> memref<2048xf32, #tpu.memory_space<vmem>>
          %swap3A_251 = arith.index_cast %mul3A_70 : i32 to index
          %swap3A_252 = tpu.vector_load %swap3A_250[%swap3A_251] {strides = array<i32>} : memref<2048xf32, #tpu.memory_space<vmem>>, vector<16xf32>,
          %swap3A_253 = vector.shape_cast %swap3A_252 : vector<16xf32> to vector<16xf32>
          %swap3A_254 = vector.shape_cast %add3A_246 : vector<16xf32> to vector<16xf32>
          tpu.vector_store %swap3A_250[%swap3A_251], %swap3A_254 {strides = array<i32>} : memref<2048xf32, #tpu.memory_space<vmem>>, vector<16xf32>,
          %get3A_255 = arith.constant 8 : i32
          %get3A_256 = arith.constant 0 : i32
          %get3A_257 = tpu.memref_slice %arg6[%get3A_255, %get3A_256] : memref<16x2048xf32, #tpu.memory_space<vmem>> -> memref<1x2048xf32, #tpu.memory_space<vmem>>
          %get3A_258 = tpu.memref_squeeze %get3A_257 : memref<1x2048xf32, #tpu.memory_space<vmem>> -> memref<2048xf32, #tpu.memory_space<vmem>>
          %get3A_259 = arith.index_cast %mul3A_70 : i32 to index
          %get3A_260 = tpu.vector_load %get3A_258[%get3A_259] {strides = array<i32>} : memref<2048xf32, #tpu.memory_space<vmem>>, vector<16xf32>,
          %get3A_261 = vector.shape_cast %get3A_260 : vector<16xf32> to vector<16xf32>
          %get3A_262 = arith.constant 8 : i32
          %get3A_263 = arith.constant 0 : i32
          %get3A_264 = tpu.memref_slice %arg7[%get3A_262, %get3A_263] : memref<16x2048xf32, #tpu.memory_space<vmem>> -> memref<1x2048xf32, #tpu.memory_space<vmem>>
          %get3A_265 = tpu.memref_squeeze %get3A_264 : memref<1x2048xf32, #tpu.memory_space<vmem>> -> memref<2048xf32, #tpu.memory_space<vmem>>
          %get3A_266 = arith.index_cast %mul3A_70 : i32 to index
          %get3A_267 = tpu.vector_load %get3A_265[%get3A_266] {strides = array<i32>} : memref<2048xf32, #tpu.memory_space<vmem>>, vector<16xf32>,
          %get3A_268 = vector.shape_cast %get3A_267 : vector<16xf32> to vector<16xf32>
          %add3A_269 = arith.addf %get3A_261, %get3A_268 : vector<16xf32>
          %swap3A_270 = arith.constant 8 : i32
          %swap3A_271 = arith.constant 0 : i32
          %swap3A_272 = tpu.memref_slice %arg6[%swap3A_270, %swap3A_271] : memref<16x2048xf32, #tpu.memory_space<vmem>> -> memref<1x2048xf32, #tpu.memory_space<vmem>>
          %swap3A_273 = tpu.memref_squeeze %swap3A_272 : memref<1x2048xf32, #tpu.memory_space<vmem>> -> memref<2048xf32, #tpu.memory_space<vmem>>
          %swap3A_274 = arith.index_cast %mul3A_70 : i32 to index
          %swap3A_275 = tpu.vector_load %swap3A_273[%swap3A_274] {strides = array<i32>} : memref<2048xf32, #tpu.memory_space<vmem>>, vector<16xf32>,
          %swap3A_276 = vector.shape_cast %swap3A_275 : vector<16xf32> to vector<16xf32>
          %swap3A_277 = vector.shape_cast %add3A_269 : vector<16xf32> to vector<16xf32>
          tpu.vector_store %swap3A_273[%swap3A_274], %swap3A_277 {strides = array<i32>} : memref<2048xf32, #tpu.memory_space<vmem>>, vector<16xf32>,
          %get3A_278 = arith.constant 9 : i32
          %get3A_279 = arith.constant 0 : i32
          %get3A_280 = tpu.memref_slice %arg6[%get3A_278, %get3A_279] : memref<16x2048xf32, #tpu.memory_space<vmem>> -> memref<1x2048xf32, #tpu.memory_space<vmem>>
          %get3A_281 = tpu.memref_squeeze %get3A_280 : memref<1x2048xf32, #tpu.memory_space<vmem>> -> memref<2048xf32, #tpu.memory_space<vmem>>
          %get3A_282 = arith.index_cast %mul3A_70 : i32 to index
          %get3A_283 = tpu.vector_load %get3A_281[%get3A_282] {strides = array<i32>} : memref<2048xf32, #tpu.memory_space<vmem>>, vector<16xf32>,
          %get3A_284 = vector.shape_cast %get3A_283 : vector<16xf32> to vector<16xf32>
          %get3A_285 = arith.constant 9 : i32
          %get3A_286 = arith.constant 0 : i32
          %get3A_287 = tpu.memref_slice %arg7[%get3A_285, %get3A_286] : memref<16x2048xf32, #tpu.memory_space<vmem>> -> memref<1x2048xf32, #tpu.memory_space<vmem>>
          %get3A_288 = tpu.memref_squeeze %get3A_287 : memref<1x2048xf32, #tpu.memory_space<vmem>> -> memref<2048xf32, #tpu.memory_space<vmem>>
          %get3A_289 = arith.index_cast %mul3A_70 : i32 to index
          %get3A_290 = tpu.vector_load %get3A_288[%get3A_289] {strides = array<i32>} : memref<2048xf32, #tpu.memory_space<vmem>>, vector<16xf32>,
          %get3A_291 = vector.shape_cast %get3A_290 : vector<16xf32> to vector<16xf32>
          %add3A_292 = arith.addf %get3A_284, %get3A_291 : vector<16xf32>
          %swap3A_293 = arith.constant 9 : i32
          %swap3A_294 = arith.constant 0 : i32
          %swap3A_295 = tpu.memref_slice %arg6[%swap3A_293, %swap3A_294] : memref<16x2048xf32, #tpu.memory_space<vmem>> -> memref<1x2048xf32, #tpu.memory_space<vmem>>
          %swap3A_296 = tpu.memref_squeeze %swap3A_295 : memref<1x2048xf32, #tpu.memory_space<vmem>> -> memref<2048xf32, #tpu.memory_space<vmem>>
          %swap3A_297 = arith.index_cast %mul3A_70 : i32 to index
          %swap3A_298 = tpu.vector_load %swap3A_296[%swap3A_297] {strides = array<i32>} : memref<2048xf32, #tpu.memory_space<vmem>>, vector<16xf32>,
          %swap3A_299 = vector.shape_cast %swap3A_298 : vector<16xf32> to vector<16xf32>
          %swap3A_300 = vector.shape_cast %add3A_292 : vector<16xf32> to vector<16xf32>
          tpu.vector_store %swap3A_296[%swap3A_297], %swap3A_300 {strides = array<i32>} : memref<2048xf32, #tpu.memory_space<vmem>>, vector<16xf32>,
          %get3A_301 = arith.constant 10 : i32
          %get3A_302 = arith.constant 0 : i32
          %get3A_303 = tpu.memref_slice %arg6[%get3A_301, %get3A_302] : memref<16x2048xf32, #tpu.memory_space<vmem>> -> memref<1x2048xf32, #tpu.memory_space<vmem>>
          %get3A_304 = tpu.memref_squeeze %get3A_303 : memref<1x2048xf32, #tpu.memory_space<vmem>> -> memref<2048xf32, #tpu.memory_space<vmem>>
          %get3A_305 = arith.index_cast %mul3A_70 : i32 to index
          %get3A_306 = tpu.vector_load %get3A_304[%get3A_305] {strides = array<i32>} : memref<2048xf32, #tpu.memory_space<vmem>>, vector<16xf32>,
          %get3A_307 = vector.shape_cast %get3A_306 : vector<16xf32> to vector<16xf32>
          %get3A_308 = arith.constant 10 : i32
          %get3A_309 = arith.constant 0 : i32
          %get3A_310 = tpu.memref_slice %arg7[%get3A_308, %get3A_309] : memref<16x2048xf32, #tpu.memory_space<vmem>> -> memref<1x2048xf32, #tpu.memory_space<vmem>>
          %get3A_311 = tpu.memref_squeeze %get3A_310 : memref<1x2048xf32, #tpu.memory_space<vmem>> -> memref<2048xf32, #tpu.memory_space<vmem>>
          %get3A_312 = arith.index_cast %mul3A_70 : i32 to index
          %get3A_313 = tpu.vector_load %get3A_311[%get3A_312] {strides = array<i32>} : memref<2048xf32, #tpu.memory_space<vmem>>, vector<16xf32>,
          %get3A_314 = vector.shape_cast %get3A_313 : vector<16xf32> to vector<16xf32>
          %add3A_315 = arith.addf %get3A_307, %get3A_314 : vector<16xf32>
          %swap3A_316 = arith.constant 10 : i32
          %swap3A_317 = arith.constant 0 : i32
          %swap3A_318 = tpu.memref_slice %arg6[%swap3A_316, %swap3A_317] : memref<16x2048xf32, #tpu.memory_space<vmem>> -> memref<1x2048xf32, #tpu.memory_space<vmem>>
          %swap3A_319 = tpu.memref_squeeze %swap3A_318 : memref<1x2048xf32, #tpu.memory_space<vmem>> -> memref<2048xf32, #tpu.memory_space<vmem>>
          %swap3A_320 = arith.index_cast %mul3A_70 : i32 to index
          %swap3A_321 = tpu.vector_load %swap3A_319[%swap3A_320] {strides = array<i32>} : memref<2048xf32, #tpu.memory_space<vmem>>, vector<16xf32>,
          %swap3A_322 = vector.shape_cast %swap3A_321 : vector<16xf32> to vector<16xf32>
          %swap3A_323 = vector.shape_cast %add3A_315 : vector<16xf32> to vector<16xf32>
          tpu.vector_store %swap3A_319[%swap3A_320], %swap3A_323 {strides = array<i32>} : memref<2048xf32, #tpu.memory_space<vmem>>, vector<16xf32>,
          %get3A_324 = arith.constant 11 : i32
          %get3A_325 = arith.constant 0 : i32
          %get3A_326 = tpu.memref_slice %arg6[%get3A_324, %get3A_325] : memref<16x2048xf32, #tpu.memory_space<vmem>> -> memref<1x2048xf32, #tpu.memory_space<vmem>>
          %get3A_327 = tpu.memref_squeeze %get3A_326 : memref<1x2048xf32, #tpu.memory_space<vmem>> -> memref<2048xf32, #tpu.memory_space<vmem>>
          %get3A_328 = arith.index_cast %mul3A_70 : i32 to index
          %get3A_329 = tpu.vector_load %get3A_327[%get3A_328] {strides = array<i32>} : memref<2048xf32, #tpu.memory_space<vmem>>, vector<16xf32>,
          %get3A_330 = vector.shape_cast %get3A_329 : vector<16xf32> to vector<16xf32>
          %get3A_331 = arith.constant 11 : i32
          %get3A_332 = arith.constant 0 : i32
          %get3A_333 = tpu.memref_slice %arg7[%get3A_331, %get3A_332] : memref<16x2048xf32, #tpu.memory_space<vmem>> -> memref<1x2048xf32, #tpu.memory_space<vmem>>
          %get3A_334 = tpu.memref_squeeze %get3A_333 : memref<1x2048xf32, #tpu.memory_space<vmem>> -> memref<2048xf32, #tpu.memory_space<vmem>>
          %get3A_335 = arith.index_cast %mul3A_70 : i32 to index
          %get3A_336 = tpu.vector_load %get3A_334[%get3A_335] {strides = array<i32>} : memref<2048xf32, #tpu.memory_space<vmem>>, vector<16xf32>,
          %get3A_337 = vector.shape_cast %get3A_336 : vector<16xf32> to vector<16xf32>
          %add3A_338 = arith.addf %get3A_330, %get3A_337 : vector<16xf32>
          %swap3A_339 = arith.constant 11 : i32
          %swap3A_340 = arith.constant 0 : i32
          %swap3A_341 = tpu.memref_slice %arg6[%swap3A_339, %swap3A_340] : memref<16x2048xf32, #tpu.memory_space<vmem>> -> memref<1x2048xf32, #tpu.memory_space<vmem>>
          %swap3A_342 = tpu.memref_squeeze %swap3A_341 : memref<1x2048xf32, #tpu.memory_space<vmem>> -> memref<2048xf32, #tpu.memory_space<vmem>>
          %swap3A_343 = arith.index_cast %mul3A_70 : i32 to index
          %swap3A_344 = tpu.vector_load %swap3A_342[%swap3A_343] {strides = array<i32>} : memref<2048xf32, #tpu.memory_space<vmem>>, vector<16xf32>,
          %swap3A_345 = vector.shape_cast %swap3A_344 : vector<16xf32> to vector<16xf32>
          %swap3A_346 = vector.shape_cast %add3A_338 : vector<16xf32> to vector<16xf32>
          tpu.vector_store %swap3A_342[%swap3A_343], %swap3A_346 {strides = array<i32>} : memref<2048xf32, #tpu.memory_space<vmem>>, vector<16xf32>,
          %get3A_347 = arith.constant 12 : i32
          %get3A_348 = arith.constant 0 : i32
          %get3A_349 = tpu.memref_slice %arg6[%get3A_347, %get3A_348] : memref<16x2048xf32, #tpu.memory_space<vmem>> -> memref<1x2048xf32, #tpu.memory_space<vmem>>
          %get3A_350 = tpu.memref_squeeze %get3A_349 : memref<1x2048xf32, #tpu.memory_space<vmem>> -> memref<2048xf32, #tpu.memory_space<vmem>>
          %get3A_351 = arith.index_cast %mul3A_70 : i32 to index
          %get3A_352 = tpu.vector_load %get3A_350[%get3A_351] {strides = array<i32>} : memref<2048xf32, #tpu.memory_space<vmem>>, vector<16xf32>,
          %get3A_353 = vector.shape_cast %get3A_352 : vector<16xf32> to vector<16xf32>
          %get3A_354 = arith.constant 12 : i32
          %get3A_355 = arith.constant 0 : i32
          %get3A_356 = tpu.memref_slice %arg7[%get3A_354, %get3A_355] : memref<16x2048xf32, #tpu.memory_space<vmem>> -> memref<1x2048xf32, #tpu.memory_space<vmem>>
          %get3A_357 = tpu.memref_squeeze %get3A_356 : memref<1x2048xf32, #tpu.memory_space<vmem>> -> memref<2048xf32, #tpu.memory_space<vmem>>
          %get3A_358 = arith.index_cast %mul3A_70 : i32 to index
          %get3A_359 = tpu.vector_load %get3A_357[%get3A_358] {strides = array<i32>} : memref<2048xf32, #tpu.memory_space<vmem>>, vector<16xf32>,
          %get3A_360 = vector.shape_cast %get3A_359 : vector<16xf32> to vector<16xf32>
          %add3A_361 = arith.addf %get3A_353, %get3A_360 : vector<16xf32>
          %swap3A_362 = arith.constant 12 : i32
          %swap3A_363 = arith.constant 0 : i32
          %swap3A_364 = tpu.memref_slice %arg6[%swap3A_362, %swap3A_363] : memref<16x2048xf32, #tpu.memory_space<vmem>> -> memref<1x2048xf32, #tpu.memory_space<vmem>>
          %swap3A_365 = tpu.memref_squeeze %swap3A_364 : memref<1x2048xf32, #tpu.memory_space<vmem>> -> memref<2048xf32, #tpu.memory_space<vmem>>
          %swap3A_366 = arith.index_cast %mul3A_70 : i32 to index
          %swap3A_367 = tpu.vector_load %swap3A_365[%swap3A_366] {strides = array<i32>} : memref<2048xf32, #tpu.memory_space<vmem>>, vector<16xf32>,
          %swap3A_368 = vector.shape_cast %swap3A_367 : vector<16xf32> to vector<16xf32>
          %swap3A_369 = vector.shape_cast %add3A_361 : vector<16xf32> to vector<16xf32>
          tpu.vector_store %swap3A_365[%swap3A_366], %swap3A_369 {strides = array<i32>} : memref<2048xf32, #tpu.memory_space<vmem>>, vector<16xf32>,
          %get3A_370 = arith.constant 13 : i32
          %get3A_371 = arith.constant 0 : i32
          %get3A_372 = tpu.memref_slice %arg6[%get3A_370, %get3A_371] : memref<16x2048xf32, #tpu.memory_space<vmem>> -> memref<1x2048xf32, #tpu.memory_space<vmem>>
          %get3A_373 = tpu.memref_squeeze %get3A_372 : memref<1x2048xf32, #tpu.memory_space<vmem>> -> memref<2048xf32, #tpu.memory_space<vmem>>
          %get3A_374 = arith.index_cast %mul3A_70 : i32 to index
          %get3A_375 = tpu.vector_load %get3A_373[%get3A_374] {strides = array<i32>} : memref<2048xf32, #tpu.memory_space<vmem>>, vector<16xf32>,
          %get3A_376 = vector.shape_cast %get3A_375 : vector<16xf32> to vector<16xf32>
          %get3A_377 = arith.constant 13 : i32
          %get3A_378 = arith.constant 0 : i32
          %get3A_379 = tpu.memref_slice %arg7[%get3A_377, %get3A_378] : memref<16x2048xf32, #tpu.memory_space<vmem>> -> memref<1x2048xf32, #tpu.memory_space<vmem>>
          %get3A_380 = tpu.memref_squeeze %get3A_379 : memref<1x2048xf32, #tpu.memory_space<vmem>> -> memref<2048xf32, #tpu.memory_space<vmem>>
          %get3A_381 = arith.index_cast %mul3A_70 : i32 to index
          %get3A_382 = tpu.vector_load %get3A_380[%get3A_381] {strides = array<i32>} : memref<2048xf32, #tpu.memory_space<vmem>>, vector<16xf32>,
          %get3A_383 = vector.shape_cast %get3A_382 : vector<16xf32> to vector<16xf32>
          %add3A_384 = arith.addf %get3A_376, %get3A_383 : vector<16xf32>
          %swap3A_385 = arith.constant 13 : i32
          %swap3A_386 = arith.constant 0 : i32
          %swap3A_387 = tpu.memref_slice %arg6[%swap3A_385, %swap3A_386] : memref<16x2048xf32, #tpu.memory_space<vmem>> -> memref<1x2048xf32, #tpu.memory_space<vmem>>
          %swap3A_388 = tpu.memref_squeeze %swap3A_387 : memref<1x2048xf32, #tpu.memory_space<vmem>> -> memref<2048xf32, #tpu.memory_space<vmem>>
          %swap3A_389 = arith.index_cast %mul3A_70 : i32 to index
          %swap3A_390 = tpu.vector_load %swap3A_388[%swap3A_389] {strides = array<i32>} : memref<2048xf32, #tpu.memory_space<vmem>>, vector<16xf32>,
          %swap3A_391 = vector.shape_cast %swap3A_390 : vector<16xf32> to vector<16xf32>
          %swap3A_392 = vector.shape_cast %add3A_384 : vector<16xf32> to vector<16xf32>
          tpu.vector_store %swap3A_388[%swap3A_389], %swap3A_392 {strides = array<i32>} : memref<2048xf32, #tpu.memory_space<vmem>>, vector<16xf32>,
          %get3A_393 = arith.constant 14 : i32
          %get3A_394 = arith.constant 0 : i32
          %get3A_395 = tpu.memref_slice %arg6[%get3A_393, %get3A_394] : memref<16x2048xf32, #tpu.memory_space<vmem>> -> memref<1x2048xf32, #tpu.memory_space<vmem>>
          %get3A_396 = tpu.memref_squeeze %get3A_395 : memref<1x2048xf32, #tpu.memory_space<vmem>> -> memref<2048xf32, #tpu.memory_space<vmem>>
          %get3A_397 = arith.index_cast %mul3A_70 : i32 to index
          %get3A_398 = tpu.vector_load %get3A_396[%get3A_397] {strides = array<i32>} : memref<2048xf32, #tpu.memory_space<vmem>>, vector<16xf32>,
          %get3A_399 = vector.shape_cast %get3A_398 : vector<16xf32> to vector<16xf32>
          %get3A_400 = arith.constant 14 : i32
          %get3A_401 = arith.constant 0 : i32
          %get3A_402 = tpu.memref_slice %arg7[%get3A_400, %get3A_401] : memref<16x2048xf32, #tpu.memory_space<vmem>> -> memref<1x2048xf32, #tpu.memory_space<vmem>>
          %get3A_403 = tpu.memref_squeeze %get3A_402 : memref<1x2048xf32, #tpu.memory_space<vmem>> -> memref<2048xf32, #tpu.memory_space<vmem>>
          %get3A_404 = arith.index_cast %mul3A_70 : i32 to index
          %get3A_405 = tpu.vector_load %get3A_403[%get3A_404] {strides = array<i32>} : memref<2048xf32, #tpu.memory_space<vmem>>, vector<16xf32>,
          %get3A_406 = vector.shape_cast %get3A_405 : vector<16xf32> to vector<16xf32>
          %add3A_407 = arith.addf %get3A_399, %get3A_406 : vector<16xf32>
          %swap3A_408 = arith.constant 14 : i32
          %swap3A_409 = arith.constant 0 : i32
          %swap3A_410 = tpu.memref_slice %arg6[%swap3A_408, %swap3A_409] : memref<16x2048xf32, #tpu.memory_space<vmem>> -> memref<1x2048xf32, #tpu.memory_space<vmem>>
          %swap3A_411 = tpu.memref_squeeze %swap3A_410 : memref<1x2048xf32, #tpu.memory_space<vmem>> -> memref<2048xf32, #tpu.memory_space<vmem>>
          %swap3A_412 = arith.index_cast %mul3A_70 : i32 to index
          %swap3A_413 = tpu.vector_load %swap3A_411[%swap3A_412] {strides = array<i32>} : memref<2048xf32, #tpu.memory_space<vmem>>, vector<16xf32>,
          %swap3A_414 = vector.shape_cast %swap3A_413 : vector<16xf32> to vector<16xf32>
          %swap3A_415 = vector.shape_cast %add3A_407 : vector<16xf32> to vector<16xf32>
          tpu.vector_store %swap3A_411[%swap3A_412], %swap3A_415 {strides = array<i32>} : memref<2048xf32, #tpu.memory_space<vmem>>, vector<16xf32>,
          %get3A_416 = arith.constant 15 : i32
          %get3A_417 = arith.constant 0 : i32
          %get3A_418 = tpu.memref_slice %arg6[%get3A_416, %get3A_417] : memref<16x2048xf32, #tpu.memory_space<vmem>> -> memref<1x2048xf32, #tpu.memory_space<vmem>>
          %get3A_419 = tpu.memref_squeeze %get3A_418 : memref<1x2048xf32, #tpu.memory_space<vmem>> -> memref<2048xf32, #tpu.memory_space<vmem>>
          %get3A_420 = arith.index_cast %mul3A_70 : i32 to index
          %get3A_421 = tpu.vector_load %get3A_419[%get3A_420] {strides = array<i32>} : memref<2048xf32, #tpu.memory_space<vmem>>, vector<16xf32>,
          %get3A_422 = vector.shape_cast %get3A_421 : vector<16xf32> to vector<16xf32>
          %get3A_423 = arith.constant 15 : i32
          %get3A_424 = arith.constant 0 : i32
          %get3A_425 = tpu.memref_slice %arg7[%get3A_423, %get3A_424] : memref<16x2048xf32, #tpu.memory_space<vmem>> -> memref<1x2048xf32, #tpu.memory_space<vmem>>
          %get3A_426 = tpu.memref_squeeze %get3A_425 : memref<1x2048xf32, #tpu.memory_space<vmem>> -> memref<2048xf32, #tpu.memory_space<vmem>>
          %get3A_427 = arith.index_cast %mul3A_70 : i32 to index
          %get3A_428 = tpu.vector_load %get3A_426[%get3A_427] {strides = array<i32>} : memref<2048xf32, #tpu.memory_space<vmem>>, vector<16xf32>,
          %get3A_429 = vector.shape_cast %get3A_428 : vector<16xf32> to vector<16xf32>
          %add3A_430 = arith.addf %get3A_422, %get3A_429 : vector<16xf32>
          %swap3A_431 = arith.constant 15 : i32
          %swap3A_432 = arith.constant 0 : i32
          %swap3A_433 = tpu.memref_slice %arg6[%swap3A_431, %swap3A_432] : memref<16x2048xf32, #tpu.memory_space<vmem>> -> memref<1x2048xf32, #tpu.memory_space<vmem>>
          %swap3A_434 = tpu.memref_squeeze %swap3A_433 : memref<1x2048xf32, #tpu.memory_space<vmem>> -> memref<2048xf32, #tpu.memory_space<vmem>>
          %swap3A_435 = arith.index_cast %mul3A_70 : i32 to index
          %swap3A_436 = tpu.vector_load %swap3A_434[%swap3A_435] {strides = array<i32>} : memref<2048xf32, #tpu.memory_space<vmem>>, vector<16xf32>,
          %swap3A_437 = vector.shape_cast %swap3A_436 : vector<16xf32> to vector<16xf32>
          %swap3A_438 = vector.shape_cast %add3A_430 : vector<16xf32> to vector<16xf32>
          tpu.vector_store %swap3A_434[%swap3A_435], %swap3A_438 {strides = array<i32>} : memref<2048xf32, #tpu.memory_space<vmem>>, vector<16xf32>,
        }
        %scan3A_53 = arith.constant 128 : i32
        %mul3A_54 = arith.constant 2 : i32
        %mul3A_55 = arith.muli %mul3A_54, %add3A_11 : i32
        %dma_start3A_56 = arith.constant 0 : i32
        %dma_start3A_57 = tpu.memref_slice %arg5[%scan3A_33, %mul3A_55, %dma_start3A_56] : memref<4x8192x2048xf32, #tpu.memory_space<hbm>> -> memref<1x16x2048xf32, #tpu.memory_space<hbm>>
        %dma_start3A_58 = tpu.memref_squeeze %dma_start3A_57 : memref<1x16x2048xf32, #tpu.memory_space<hbm>> -> memref<16x2048xf32, #tpu.memory_space<hbm>>
        %dma_start3A_59 = arith.constant 0 : i32
        %dma_start3A_60 = tpu.memref_slice %arg5[%scan3A_33, %mul3A_55, %dma_start3A_59] : memref<4x8192x2048xf32, #tpu.memory_space<hbm>> -> memref<1x16x2048xf32, #tpu.memory_space<hbm>>
        %dma_start3A_61 = tpu.memref_squeeze %dma_start3A_60 : memref<1x16x2048xf32, #tpu.memory_space<hbm>> -> memref<16x2048xf32, #tpu.memory_space<hbm>>
        tpu.enqueue_dma source(%arg6 : memref<16x2048xf32, #tpu.memory_space<vmem>>) target(%dma_start3A_61 : memref<16x2048xf32, #tpu.memory_space<hbm>>) target_semaphore(%arg10 : memref<!tpu.dma_semaphore, #tpu.memory_space<semaphore_mem>>)
        %dma_wait3A_62 = arith.constant 0 : i32
        %dma_wait3A_63 = tpu.memref_slice %arg5[%scan3A_33, %mul3A_55, %dma_wait3A_62] : memref<4x8192x2048xf32, #tpu.memory_space<hbm>> -> memref<1x16x2048xf32, #tpu.memory_space<hbm>>
        %dma_wait3A_64 = tpu.memref_squeeze %dma_wait3A_63 : memref<1x16x2048xf32, #tpu.memory_space<hbm>> -> memref<16x2048xf32, #tpu.memory_space<hbm>>
        %dma_wait3A_65 = arith.constant 0 : i32
        %dma_wait3A_66 = tpu.memref_slice %arg5[%scan3A_33, %mul3A_55, %dma_wait3A_65] : memref<4x8192x2048xf32, #tpu.memory_space<hbm>> -> memref<1x16x2048xf32, #tpu.memory_space<hbm>>
        %dma_wait3A_67 = tpu.memref_squeeze %dma_wait3A_66 : memref<1x16x2048xf32, #tpu.memory_space<hbm>> -> memref<16x2048xf32, #tpu.memory_space<hbm>>
        tpu.wait_dma2 semaphore(%arg10 : memref<!tpu.dma_semaphore, #tpu.memory_space<semaphore_mem>>) src(%arg6 : memref<16x2048xf32, #tpu.memory_space<vmem>>) dst(%dma_wait3A_67 : memref<16x2048xf32, #tpu.memory_space<hbm>>)
      }
      %scan3A_32 = arith.constant 4 : i32
    }
    %scan3A_7 = arith.constant 16 : i32
    return
  }
}

</mosaic_0001>

<sc_bundles>
// kernel: kernel.3.cloned.1.call-start
scs
__scs_entry_jumppad:
0x0: {  	(pc) =	sbr.rel $0x88, $3  }
0x1: {  	(tag) =	ssettag $0x0;
	lr =	simm.s32 $0x1  }
0x2: {  	[smem:$0x3F9E] =	sst lr;
	_ =	strace $0xD0000000  }
0x3: {  	_ = 	snop  }
0x4: {  	_ = 	snop  }
0x5: {  	_ = 	snop  }
0x6: {  	_ = 	snop  }
0x7: {  	_ = 	snop  }
__scs_overlays_trampoline_lowered:
0x8: {  	[smem:$0x3FAD] =	sst s0  }
0x9: {  	[smem:$0x3FAE] =	sst s1  }
0xa: {  	[smem:$0x3FAF] =	sst s2  }
0xb: {  	[smem:$0x3FB0] =	sst s3  }
0xc: {  	[smem:$0x3FB1] =	sst s4  }
0xd: {  	[smem:$0x3FB2] =	sst s5  }
0xe: {  	[smem:$0x3FB3] =	sst s6  }
0xf: {  	[smem:$0x3FB4] =	sst s7  }
0x10: {  	[smem:$0x3FB5] =	sst s8  }
0x11: {  	[smem:$0x3FB6] =	sst s9;
	s0 =	simm.s32 @!p0 $0x0  }
0x12: {  	s1 =	sld [smem:$0x3F9C];
	s0 =	simm.s32 @p0 $0x1  }
0x13: {  	[smem:$0x3FB7] =	sst s0;
	s0 =	simm.s32 @!p1 $0x0  }
0x14: {  	s2 =	sld [smem:$0x3F9B];
	s0 =	simm.s32 @p1 $0x1  }
0x15: {  	[smem:$0x3FB8] =	sst s0;
	s0 =	simm.s32 @!p2 $0x0  }
0x16: {  	s3 =	sld [smem:$0x3FDB];
	s0 =	simm.s32 @p2 $0x1  }
0x17: {  	s4 =	simm.s32 $0x1BF5;
	[smem:$0x3FBA] =	sst s0  }
0x18: {  	s0 =	sld [smem:$0x3F9D];
	_ =	swait.ge [sflag:s4], $0x0  }
0x19: {  	s7 =	sld [smem:$0x3F9E]  }
0x1a: {  	s8 =	sadd.s32 $0xFFFFE003, lr  }
0x1b: {  	s9 =	sadd.s32 $0xFFFFFEF7, lr;
	s5 =	simm.s32 $0xFFFFFFFF;
	p2 =	slt.u32 s8, $0xFFFFF086  }
0x1c: {  	p1 =	slt.u32 s9, $0xF7A;
	s5 =	simm.s32 @!p2 $0x0  }
0x1d: {  	s5 =	simm.s32 @p1 $0x1;
	p0 =	seq.s32 s7, s2  }
0x1e: {  	s7 =	smul.u32 @!p0 $0xF7A, s2;
	p2 =	seq.s32 @!p0 s5, $0x0  }
0x1f: {  	s9 =	smul.u32 $0xF7A, s1;
	s8 =	simm.s32 @!p0 $0x1BF5;
	p2 =	por !p2, p0  }
0x20: {  	[sflag:s8] =	ssyncset.s32 @!p0 $0xFFFFF086;
	s6 =	sadd.s32 @!p0 s3, s7;
	s7 =	simm.s32 @!p0 $0x108  }
0x21: {  	s3 =	sadd.s32 s3, s9;
	s6 =	sadd.s32 @!p0 $0x88, s6;
	s7 =	simm.s32 @p2 $0x1082  }
0x22: {  	[simem:s7], [sflag:s8] =	dma.local @!p0 [hbm:s6], $0xF7A  }
0x23: {  	s9 =	sor.u32 $0xD0000000, s2;
	s6 =	simm.s32 $0x108;
	_ =	swait.ge @!p0 [sflag:s8], $0x0  }
0x24: {  	s3 =	sadd.s32 $0x88, s3;
	s6 =	simm.s32 @!p1 $0x1082;
	[sflag:s4] =	ssyncset.s32 $0xFFFFF086  }
0x25: {  	[simem:s6], [sflag:s4] =	dma.local [hbm:s3], $0xF7A  }
0x26: {  	[smem:$0x3F9E] =	sst s1;
	(tag) =	ssettag s2;
	_ =	strace s9  }
0x27: {  	s1 =	sld [smem:$0x3FAE]  }
0x28: {  	s2 =	sld [smem:$0x3FAF]  }
0x29: {  	s4 =	sld [smem:$0x3FB1]  }
0x2a: {  	p0 =	seq.s32 s5, $0x0;
	s5 =	sld [smem:$0x3FB2]  }
0x2b: {  	s6 =	sld [smem:$0x3FB3]  }
0x2c: {  	s7 =	sld [smem:$0x3FB4]  }
0x2d: {  	s3 =	simm.s32 $0x108;
	s8 =	sld [smem:$0x3FB5]  }
0x2e: {  	s3 =	simm.s32 @!p0 $0x1082;
	s9 =	sld [smem:$0x3FB6]  }
0x2f: {  	lr =	sadd.s32 s0, s3;
	s0 =	sld [smem:$0x3FAD]  }
0x30: {  	s3 =	sld [smem:$0x3FB0]  }
0x31: {  	[smem:$0x3FB9] =	sst s10  }
0x32: {  	s10 =	sld [smem:$0x3FB7];
	_ =	sdelay $0x3  }
0x33: {  	p0 =	seq.s32 s10, $0x1;
	s10 =	sld [smem:$0x3FB9];
	_ =	sdelay $0x3  }
0x34: {  	[smem:$0x3FB9] =	sst s10  }
0x35: {  	s10 =	sld [smem:$0x3FB8];
	_ =	sdelay $0x3  }
0x36: {  	p1 =	seq.s32 s10, $0x1;
	s10 =	sld [smem:$0x3FB9];
	_ =	sdelay $0x3  }
0x37: {  	[smem:$0x3FB9] =	sst s10  }
0x38: {  	s10 =	sld [smem:$0x3FBA]  }
0x39: {  	_ = 	snop;
	(pc) =	sbr.ind lr, $3  }
0x3a: {  	_ = 	snop  }
0x3b: {  	_ = 	snop  }
0x3c: {  	p2 =	seq.s32 s10, $0x1;
	s10 =	sld [smem:$0x3FB9]  }
0x3d: {  	_ =	shalt  }
0x3e: {  	_ =	shalt  }
0x3f: {  	_ =	shalt  }
0x40: {  	_ =	shalt  }
0x41: {  	_ =	shalt  }
0x42: {  	_ =	shalt  }
0x43: {  	_ =	shalt  }
0x44: {  	_ =	shalt  }
0x45: {  	_ =	shalt  }
0x46: {  	_ =	shalt  }
0x47: {  	_ =	shalt  }
0x48: {  	_ =	shalt  }
0x49: {  	_ =	shalt  }
0x4a: {  	_ =	shalt  }
0x4b: {  	_ =	shalt  }
0x4c: {  	_ =	shalt  }
0x4d: {  	_ =	shalt  }
0x4e: {  	_ =	shalt  }
0x4f: {  	_ =	shalt  }
0x50: {  	_ =	shalt  }
0x51: {  	_ =	shalt  }
0x52: {  	_ =	shalt  }
0x53: {  	_ =	shalt  }
0x54: {  	_ =	shalt  }
0x55: {  	_ =	shalt  }
0x56: {  	_ =	shalt  }
0x57: {  	_ =	shalt  }
0x58: {  	_ =	shalt  }
0x59: {  	_ =	shalt  }
0x5a: {  	_ =	shalt  }
0x5b: {  	_ =	shalt  }
0x5c: {  	_ =	shalt  }
0x5d: {  	_ =	shalt  }
0x5e: {  	_ =	shalt  }
0x5f: {  	_ =	shalt  }
0x60: {  	_ =	shalt  }
0x61: {  	_ =	shalt  }
0x62: {  	_ =	shalt  }
0x63: {  	_ =	shalt  }
0x64: {  	_ =	shalt  }
0x65: {  	_ =	shalt  }
0x66: {  	_ =	shalt  }
0x67: {  	_ =	shalt  }
0x68: {  	_ =	shalt  }
0x69: {  	_ =	shalt  }
0x6a: {  	_ =	shalt  }
0x6b: {  	_ =	shalt  }
0x6c: {  	_ =	shalt  }
0x6d: {  	_ =	shalt  }
0x6e: {  	_ =	shalt  }
0x6f: {  	_ =	shalt  }
0x70: {  	_ =	shalt  }
0x71: {  	_ =	shalt  }
0x72: {  	_ =	shalt  }
0x73: {  	_ =	shalt  }
0x74: {  	_ =	shalt  }
0x75: {  	_ =	shalt  }
0x76: {  	_ =	shalt  }
0x77: {  	_ =	shalt  }
0x78: {  	_ =	shalt  }
0x79: {  	_ =	shalt  }
0x7a: {  	_ =	shalt  }
0x7b: {  	_ =	shalt  }
0x7c: {  	_ =	shalt  }
0x7d: {  	_ =	shalt  }
0x7e: {  	_ =	shalt  }
0x7f: {  	_ =	shalt  }
0x80: {  	_ =	shalt  }
0x81: {  	_ =	shalt  }
0x82: {  	_ =	shalt  }
0x83: {  	_ =	shalt  }
0x84: {  	_ =	shalt  }
0x85: {  	_ =	shalt  }
0x86: {  	_ =	shalt  }
0x87: {  	_ =	shalt  }
.Lfunc_end0:
.L_simem_size_0:
called_computation_lowered:
.L_overlay_start_0:
0x88: {  	s2 =	sld [smem:$0x3FD9]  }
0x89: {  	s3 =	sld [smem:$0x3FFE];
	_ =	sdelay $0x1  }
0x8a: {  	s1 =	srdreg.scid  }
0x8b: {  	s0 =	sand.u32 $0x1, s1  }
0x8c: {  	s17 =	sshll.u32 s0, $0xA;
	s2 =	sadd.s32 s3, s2  }
0x8d: {  	s2 =	sadd.s32 s2, s17  }
0x8e: {  	[smem:$0x3FC5] =	sst s2  }
0x8f: {  	_ = 	snop  }
0x90: {  	s2 =	sld [smem:$0x3FD0];
	(tm) =	ssettm $0x1  }
0x91: {  	s18 =	sld [smem:$0x3FFB];
	_ =	sdelay $0x3  }
0x92: {  	_ =	strace s18  }
0x93: {  	s3 =	sld [smem:$0x3FFC];
	_ =	sdelay $0x3  }
0x94: {  	_ =	strace s3  }
0x95: {  	s3 =	sld [smem:$0x3FFD];
	_ =	sdelay $0x3  }
0x96: {  	_ =	strace s3  }
0x97: {  	_ =	strace $0x8FFFFFFF  }
0x98: {  	s19 =	sld [smem:$0x3FDB];
	_ =	sdelay $0x1  }
0x99: {  	s4 =	simm.s32 $_scs_section_size  }
0x9a: {  	s5 =	simm.s32 $_size__tile_overlayer_lowered;
	s6 =	simm.s32 $_tile_overlayer_lowered  }
0x9b: {  	s22 =	simm.s32 $0x1BFF;
	s21 =	sshll.u32 s6, $0x1;
	s3 =	sadd.s32 s4, s19  }
0x9c: {  	s7 =	simm.s32 $0x0;
	s20 =	sshll.u32 s5, $0x1;
	s5 =	sadd.s32 s21, s3  }
0x9d: {  	[timem:s7], [sflag:s22] =	dma.local [hbm:s5], s20  }
0x9e: {  	_ =	swait.ge [sflag:s22], s20  }
0x9f: {  	s4 =	ssub.s32 $0x0, s20;
	[sflag:s22] =	ssyncset.done $0x0  }
0xa0: {  	[sflag:s22] =	ssyncadd.s32 s4;
	_ =	sdelay $0x1  }
0xa1: {  	s23 =	simm.s32 $0x1B8B  }
0xa2: {  	_ =	swait.ge [sflag:s23], $0x1  }
0xa3: {  	[sflag:s23] =	ssyncset.done $0x0  }
0xa4: {  	s25 =	simm.s32 $0x1B8E;
	s24 =	sld [smem:$0x3FFE];
	[sflag:s23] =	ssyncadd.s32 $0xFFFFFFFF  }
0xa5: {  	s26 =	simm.s32 $execute0_lowered;
	[smem:$0x3FD2] =	sst s25  }
0xa6: {  	s5 =	sshll.u32 s26, $0x1;
	_ =	strace $0x80000046;
	[dreg:$0x1] =	wrdreg $0xFFFFFFFF  }
0xa7: {  	s28 =	simm.s32 $_size_execute0_lowered;
	s3 =	sadd.s32 s3, s5;
	[dreg:$0x0] =	wrdreg $0x0  }
0xa8: {  	s5 =	sshll.u32 s28, $0x1;
	[dreg:$0x2] =	wrdreg s3  }
0xa9: {  	[dreg:$0x3] =	wrdreg s5  }
0xaa: {  	[dreg:$0x4] =	wrdreg $0xC0  }
0xab: {  	_ =	task [dreg:s7], $0x5FFFF  }
0xac: {  	[dreg:$0x1] =	wrdreg $0xFFFFFFFF  }
0xad: {  	[dreg:$0x0] =	wrdreg $0x60  }
0xae: {  	[dreg:$0x2] =	wrdreg s24  }
0xaf: {  	[dreg:$0x3] =	wrdreg s2  }
0xb0: {  	[dreg:$0x4] =	wrdreg $0x9  }
0xb1: {  	_ =	task.clear_ibuf [dreg:s7], $0x5FFFF;
	_ =	strace $0x90000046  }
0xb2: {  	s29 =	simm.s32 $0x9;
	_ =	strace $0x80000048  }
0xb3: {  	_ =	swait.ge [sflag:s29], $0x1  }
0xb4: {  	[sflag:s29] =	ssyncadd.s32 $0xFFFFFFFF  }
0xb5: {  	_ =	strace $0x90000048  }
0xb6: {  	_ =	sfence  }
0xb7: {  	s30 =	sld [smem:$0x0];
	_ =	sdelay $0x2  }
0xb8: {  	s31 =	sshll.u32 s1, $0xD;
	s1 =	sshrl.u32 s1, $0x2  }
0xb9: {  	s3 =	sand.u32 $0x4000, s31;
	s1 =	sadd.s32 s1, s30  }
0xba: {  	s0 =	sor.u32 s3, s0;
	s1 =	sshll.u32 s1, $0x11  }
0xbb: {  	s0 =	sor.u32 s1, s0  }
0xbc: {  	s0 =	sadd.s32 $0x8F2B, s0  }
0xbd: {  	[sflag:s0] =	ssyncadd.remote.s32 $0x1  }
0xbe: {  	_ =	sfence.sel $0xFFFF  }
0xbf: {  	[dreg:$0x0] =	wrdreg $0xFFFFFFFF;
	(pc) =	sbr.abs _section_cstart, $3  }
0xc0: {  	[dreg:$0x1] =	wrdreg $0xFFFFFFFF  }
0xc1: {  	_ =	task.clear_ibuf [dreg:s7], $0x2FFFF;
	_ =	strace $0x9FFFFFFF  }
0xc2: {  	(tm) =	ssettm $0x7FFFFFFF  }
0xc3: {  	_ =	shalt  }
tec
execute0_lowered:
.L_overlay_start_1:
0x0: {  	(tag) =	ssettag $0x1  }
0x1: {  	s0 =	rddreg [dreg:$0x0]  }
0x2: {  	s1 =	rddreg [dreg:$0x1];
	s2 =	simm.s32 $0x0;
	s3 =	srdreg.scid  }
0x3: {  	s8 =	stileid.u32;
	s28 =	simm.s32 $0xC800;
	s29 =	simm.s32 $0xD000  }
0x4: {  	s30 =	simm.s32 $0xD800;
	s31 =	simm.s32 $0xE000;
	s16 =	simm.s32 $0xF800  }
0x5: {  	s15 =	simm.s32 $0x1;
	s18 =	simm.s32 $0x0;
	[smem:$0x7FF] =	sst s2  }
0x6: {  	s3 =	sand.u32 $0x1, s3;
	s4 =	sadd.s32 $0x400400, s0;
	s5 =	sadd.s32 $0x400, s0  }
0x7: {  	s6 =	sadd.s32 $0x400600, s0;
	s25 =	sshll.u32 s8, $0x8;
	s8 =	sadd.s32 $0x500, s0  }
0x8: {  	s9 =	sadd.s32 $0x600, s0;
	s10 =	sadd.s32 $0x700, s0;
	s11 =	sadd.s32 $0x800, s0  }
0x9: {  	s12 =	sadd.s32 $0x900, s0;
	s13 =	sadd.s32 $0xA00, s0;
	s24 =	ssub.s32 $0x2, s3  }
0xa: {  	s14 =	sadd.s32 $0xB00, s0;
	_ =	strace $0x80000047;
	s7 =	sshrl.u32 s24, $0x1  }
0xb: {  	v0 =	vlaneseq.u32;
	[dreg:$0x3] =	wrdreg s4;
	s3 =	sshll.u32 s3, $0x7;
	s4 =	ssub.s32 s24, s7  }
0xc: {  	vm0 =	vmmov $0xffff;
	v2 =	vshrl.u32 v0, $0x3;
	s0 =	simm.s32 $0xE800;
	s7 =	sor.u32 s3, s25;
	s26 =	smax.u32 s4, $0x1  }
0xd: {  	v1 =	vand.u32 $0x7, v0;
	v3 =	vor.u32 $0x8, v0;
	v2 =	vmul.u32 $0x8, v2;
	s3 =	simm.s32 $0xF000;
	s4 =	simm.s32 $0x2;
	[dreg:$0x4] =	wrdreg s26  }
.LBB2_1:
0xe: {  	[dreg:$0x5] =	wrdreg s18  }
0xf: {  	s17 =	rddreg [dreg:$0x3];
	s25 =	simm.s32 $0x10080;
	s26 =	simm.s32 $0x3  }
0x10: {  	[tilespmem:s25], [sflag:$0x3] =	stream.linear.gather [hbm4b:s17+s2], $0x80, $0x38;
	[tilespmem:$0x10100] =	vst v63  }
0x11: {  	_ =	swait.ge [sflag:s26], $0x80  }
0x12: {  	[sflag:s26] =	ssyncset.done $0x0  }
0x13: {  	s17 =	simm.s32 $0x0;
	[sflag:s26] =	ssyncadd.s32 $0xFFFFFF80  }
.LBB2_2:
0x14: {  	v4 =	vld [tilespmem:$0x10080];
	_ =	sdelay $0x2  }
0x15: {  	s18 =	sshll.u32 s17, $0x3  }
0x16: {  	s19 =	sadd.s32 s7, s18  }
0x17: {  	v4 =	vadd.s32 s19, v4  }
0x18: {  	v4 =	vshll.u32 v4, $0x1  }
0x19: {  	v4 =	vadd.s32 v0, v4  }
0x1a: {  	v5 =	vshll.u32 v4, $0x4  }
0x1b: {  	v6 =	vand.u32 $0x7, v4;
	v5 =	vand.u32 $0xFFFFFF80, v5  }
0x1c: {  	v5 =	vor.u32 v6, v5  }
0x1d: {  	v6 =	vperm.xlane v5, v1;
	_ =	sdelay $0x1  }
0x1e: {  	v6 =	vadd.s32 v2, v6;
	_ =	sdelay $0x3  }
0x1f: {  	s20 =	simm.s32 $0x8000;
	s18 =	simm.s32 $0x0;
	[tilespmem:$0x10000] =	vst v4  }
0x20: {  	[tilespmem:s20], [sflag:$0x2] =	stream.indirect_vreg.gather [hbm4b:s5+s18], $0x80, v6, vm0, $0xb8;
	[tilespmem:$0x10100] =	vst v63  }
0x21: {  	s25 =	simm.s32 $0x8800  }
0x22: {  	[tilespmem:s25], [sflag:$0x2] =	stream.indirect_vreg.gather [hbm4b:s8+s18], $0x80, v6, vm0, $0xb8;
	[tilespmem:$0x10100] =	vst v63  }
0x23: {  	s26 =	simm.s32 $0x9000  }
0x24: {  	[tilespmem:s26], [sflag:$0x2] =	stream.indirect_vreg.gather [hbm4b:s9+s18], $0x80, v6, vm0, $0xb8;
	[tilespmem:$0x10100] =	vst v63  }
0x25: {  	s21 =	simm.s32 $0x9800  }
0x26: {  	[tilespmem:s21], [sflag:$0x2] =	stream.indirect_vreg.gather [hbm4b:s10+s18], $0x80, v6, vm0, $0xb8;
	[tilespmem:$0x10100] =	vst v63  }
0x27: {  	s22 =	simm.s32 $0xA000  }
0x28: {  	[tilespmem:s22], [sflag:$0x2] =	stream.indirect_vreg.gather [hbm4b:s11+s18], $0x80, v6, vm0, $0xb8;
	[tilespmem:$0x10100] =	vst v63  }
0x29: {  	s23 =	simm.s32 $0xA800;
	v4 =	vperm.xlane v5, v3  }
0x2a: {  	[tilespmem:s23], [sflag:$0x2] =	stream.indirect_vreg.gather [hbm4b:s12+s18], $0x80, v6, vm0, $0xb8;
	[tilespmem:$0x10100] =	vst v63  }
0x2b: {  	s24 =	simm.s32 $0xB000;
	v4 =	vadd.s32 v2, v4  }
0x2c: {  	[tilespmem:s24], [sflag:$0x2] =	stream.indirect_vreg.gather [hbm4b:s13+s18], $0x80, v6, vm0, $0xb8;
	[tilespmem:$0x10100] =	vst v63  }
0x2d: {  	s25 =	simm.s32 $0xB800  }
0x2e: {  	[tilespmem:s25], [sflag:$0x2] =	stream.indirect_vreg.gather [hbm4b:s14+s18], $0x80, v6, vm0, $0xb8;
	[tilespmem:$0x10100] =	vst v63  }
0x2f: {  	s26 =	simm.s32 $0xC000  }
0x30: {  	[tilespmem:s26], [sflag:$0x2] =	stream.indirect_vreg.gather [hbm4b:s5+s18], $0x80, v4, vm0, $0xb8;
	[tilespmem:$0x10100] =	vst v63  }
0x31: {  	_ = 	snop  }
0x32: {  	[tilespmem:s28], [sflag:$0x2] =	stream.indirect_vreg.gather [hbm4b:s8+s18], $0x80, v4, vm0, $0xb8;
	[tilespmem:$0x10100] =	vst v63  }
0x33: {  	_ = 	snop  }
0x34: {  	[tilespmem:s29], [sflag:$0x2] =	stream.indirect_vreg.gather [hbm4b:s9+s18], $0x80, v4, vm0, $0xb8;
	[tilespmem:$0x10100] =	vst v63  }
0x35: {  	_ = 	snop  }
0x36: {  	[tilespmem:s30], [sflag:$0x2] =	stream.indirect_vreg.gather [hbm4b:s10+s18], $0x80, v4, vm0, $0xb8;
	[tilespmem:$0x10100] =	vst v63  }
0x37: {  	_ = 	snop  }
0x38: {  	[tilespmem:s31], [sflag:$0x2] =	stream.indirect_vreg.gather [hbm4b:s11+s18], $0x80, v4, vm0, $0xb8;
	[tilespmem:$0x10100] =	vst v63  }
0x39: {  	_ = 	snop  }
0x3a: {  	[tilespmem:s0], [sflag:$0x2] =	stream.indirect_vreg.gather [hbm4b:s12+s18], $0x80, v4, vm0, $0xb8;
	[tilespmem:$0x10100] =	vst v63  }
0x3b: {  	_ = 	snop  }
0x3c: {  	[tilespmem:s3], [sflag:$0x2] =	stream.indirect_vreg.gather [hbm4b:s13+s18], $0x80, v4, vm0, $0xb8;
	[tilespmem:$0x10100] =	vst v63  }
0x3d: {  	_ = 	snop  }
0x3e: {  	[tilespmem:s16], [sflag:$0x2] =	stream.indirect_vreg.gather [hbm4b:s14+s18], $0x80, v4, vm0, $0xb8;
	[tilespmem:$0x10100] =	vst v63  }
0x3f: {  	_ =	swait.ge [sflag:s4], $0x8000  }
0x40: {  	[sflag:s4] =	ssyncset.done $0x0  }
0x41: {  	s19 =	sshll.u32 s19, $0x9;
	s20 =	simm.s32 $0x0;
	[sflag:s4] =	ssyncadd.s32 $0xFFFF8000  }
.LBB2_3:
0x42: {  	s21 =	sshll.u32 s20, $0x15  }
0x43: {  	s21 =	sadd.s32 s19, s21  }
0x44: {  	s22 =	sadd.s32 s1, s21  }
0x45: {  	[tilespmem:s18], [sflag:$0x1] =	stream.linear.gather [hbm4b:s22+s18], $0x8000, $0x38;
	[tilespmem:$0x10100] =	vst v63  }
0x46: {  	_ =	swait.ge [sflag:s15], $0x8000  }
0x47: {  	s26 =	sand.u32 $0x70, s18;
	s23 =	sand.u32 $0x3C00, s18;
	[sflag:s15] =	ssyncset.done $0x0  }
0x48: {  	s22 =	sor.u32 s26, s23;
	[sflag:s15] =	ssyncadd.s32 $0xFFFF8000  }
0x49: {  	v11 =	vld [tilespmem:s22+$0x8000]  }
0x4a: {  	v12 =	vld [tilespmem:s22+$0x8080]  }
0x4b: {  	v13 =	vld [tilespmem:s22+$0x8100]  }
0x4c: {  	v14 =	vld [tilespmem:s22+$0x8180]  }
0x4d: {  	v15 =	vld [tilespmem:s22+$0x8200]  }
0x4e: {  	v16 =	vld [tilespmem:s22+$0x8280]  }
0x4f: {  	v17 =	vld [tilespmem:s22+$0x8300]  }
0x50: {  	v18 =	vld [tilespmem:s22+$0x8380]  }
0x51: {  	v19 =	vld [tilespmem:s22+$0xC000]  }
0x52: {  	v10 =	vld [tilespmem:s22+$0xC080]  }
0x53: {  	v9 =	vld [tilespmem:s22+$0xC100]  }
0x54: {  	v8 =	vld [tilespmem:s22+$0xC180]  }
0x55: {  	v7 =	vld [tilespmem:s22+$0xC200]  }
0x56: {  	v6 =	vld [tilespmem:s22+$0xC280]  }
0x57: {  	v5 =	vld [tilespmem:s22+$0xC300]  }
0x58: {  	v4 =	vld [tilespmem:s22+$0xC380]  }
0x59: {  	v20 =	vld [tilespmem:s22+$0x0]  }
0x5a: {  	v21 =	vld [tilespmem:s22+$0x80]  }
0x5b: {  	v22 =	vld [tilespmem:s22+$0x100]  }
0x5c: {  	v23 =	vld [tilespmem:s22+$0x180]  }
0x5d: {  	v24 =	vld [tilespmem:s22+$0x200]  }
0x5e: {  	v60 =	vld [tilespmem:s22+$0x280];
	v11 =	vadd.f32 v11, v20  }
0x5f: {  	v61 =	vld [tilespmem:s22+$0x300];
	v12 =	vadd.f32 v12, v21  }
0x60: {  	v62 =	vld [tilespmem:s22+$0x380];
	[tilespmem:s22+$0x0] =	vst v11;
	v11 =	vadd.f32 v13, v22  }
0x61: {  	v63 =	vld [tilespmem:s22+$0x4000];
	[tilespmem:s22+$0x80] =	vst v12;
	v12 =	vadd.f32 v14, v23  }
0x62: {  	v14 =	vld [tilespmem:s22+$0x4080];
	[tilespmem:s22+$0x100] =	vst v11;
	v11 =	vadd.f32 v15, v24  }
0x63: {  	v13 =	vld [tilespmem:s22+$0x4100];
	[tilespmem:s22+$0x180] =	vst v12;
	v12 =	vadd.f32 v16, v60  }
0x64: {  	v15 =	vadd.f32 v17, v61;
	[tilespmem:s22+$0x200] =	vst v11;
	v11 =	vld [tilespmem:s22+$0x4180]  }
0x65: {  	v17 =	vadd.f32 v18, v62;
	[tilespmem:s22+$0x280] =	vst v12;
	v12 =	vld [tilespmem:s22+$0x4200]  }
0x66: {  	s24 =	simm.s32 $0x10;
	s23 =	simm.s32 $0x80;
	v16 =	vadd.f32 v19, v63;
	[tilespmem:s22+$0x300] =	vst v15;
	v15 =	vld [tilespmem:s22+$0x4280]  }
.LBB2_4:
0x67: {  	s25 =	sand.u32 $0x70, s24;
	s26 =	sand.u32 $0x3C00, s23;
	p0 =	sne.s32 s24, $0x7F0;
	[tilespmem:s22+$0x380] =	vst v17;
	v10 =	vadd.f32 v10, v14;
	v14 =	vld [tilespmem:s22+$0x4300]  }
0x68: {  	s25 =	sor.u32 s25, s26;
	[tilespmem:s22+$0x4000] =	vst v16;
	v9 =	vadd.f32 v9, v13;
	v13 =	vld [tilespmem:s22+$0x4380]  }
0x69: {  	v16 =	vld [tilespmem:s25+$0x8000];
	[tilespmem:s22+$0x4080] =	vst v10;
	v8 =	vadd.f32 v8, v11  }
0x6a: {  	v11 =	vld [tilespmem:s25+$0x8080];
	[tilespmem:s22+$0x4100] =	vst v9;
	v7 =	vadd.f32 v7, v12  }
0x6b: {  	v12 =	vld [tilespmem:s25+$0x8100];
	[tilespmem:s22+$0x4180] =	vst v8;
	v6 =	vadd.f32 v6, v15  }
0x6c: {  	v15 =	vld [tilespmem:s25+$0x8180];
	[tilespmem:s22+$0x4200] =	vst v7;
	v5 =	vadd.f32 v5, v14  }
0x6d: {  	v14 =	vld [tilespmem:s25+$0x8200];
	[tilespmem:s22+$0x4280] =	vst v6;
	v4 =	vadd.f32 v4, v13  }
0x6e: {  	v13 =	vld [tilespmem:s25+$0x8280];
	[tilespmem:s22+$0x4300] =	vst v5  }
0x6f: {  	v17 =	vld [tilespmem:s25+$0x8300];
	[tilespmem:s22+$0x4380] =	vst v4;
	s22 =	smov.u32 s25  }
0x70: {  	v18 =	vld [tilespmem:s22+$0x8380]  }
0x71: {  	v19 =	vld [tilespmem:s22+$0xC000]  }
0x72: {  	v10 =	vld [tilespmem:s22+$0xC080]  }
0x73: {  	v9 =	vld [tilespmem:s22+$0xC100]  }
0x74: {  	v8 =	vld [tilespmem:s22+$0xC180]  }
0x75: {  	v7 =	vld [tilespmem:s22+$0xC200]  }
0x76: {  	v6 =	vld [tilespmem:s22+$0xC280]  }
0x77: {  	v5 =	vld [tilespmem:s22+$0xC300]  }
0x78: {  	v4 =	vld [tilespmem:s22+$0xC380]  }
0x79: {  	v20 =	vld [tilespmem:s22+$0x0]  }
0x7a: {  	v21 =	vld [tilespmem:s22+$0x80]  }
0x7b: {  	v22 =	vld [tilespmem:s22+$0x100]  }
0x7c: {  	v23 =	vld [tilespmem:s22+$0x180]  }
0x7d: {  	v24 =	vld [tilespmem:s22+$0x200]  }
0x7e: {  	v16 =	vadd.f32 v16, v20;
	v20 =	vld [tilespmem:s22+$0x280]  }
0x7f: {  	v11 =	vadd.f32 v11, v21;
	v21 =	vld [tilespmem:s22+$0x300]  }
0x80: {  	[tilespmem:s22+$0x0] =	vst v16;
	v12 =	vadd.f32 v12, v22;
	v16 =	vld [tilespmem:s22+$0x380]  }
0x81: {  	[tilespmem:s22+$0x80] =	vst v11;
	v11 =	vadd.f32 v15, v23;
	v15 =	vld [tilespmem:s22+$0x4000]  }
.Ltmp0:
0x82: {  	[tilespmem:s22+$0x100] =	vst v12;
	v12 =	vadd.f32 v14, v24;
	v14 =	vld [tilespmem:s22+$0x4080];
	(pc) =	sbr.rel @p0 .LBB2_4-.Ltmp0, $4  }
0x83: {  	[tilespmem:s22+$0x180] =	vst v11;
	v20 =	vadd.f32 v13, v20;
	v13 =	vld [tilespmem:s22+$0x4100]  }
0x84: {  	[tilespmem:s22+$0x200] =	vst v12;
	v21 =	vadd.f32 v17, v21;
	v11 =	vld [tilespmem:s22+$0x4180]  }
0x85: {  	[tilespmem:s22+$0x280] =	vst v20;
	v17 =	vadd.f32 v18, v16;
	v12 =	vld [tilespmem:s22+$0x4200]  }
0x86: {  	s23 =	sadd.s32 $0x80, s23;
	s24 =	sadd.s32 $0x10, s24;
	[tilespmem:s22+$0x300] =	vst v21;
	v16 =	vadd.f32 v19, v15;
	v15 =	vld [tilespmem:s22+$0x4280]  }
0x87: {  	[tilespmem:s22+$0x380] =	vst v17;
	v10 =	vadd.f32 v10, v14;
	v62 =	vld [tilespmem:s22+$0x4300]  }
0x88: {  	v63 =	vld [tilespmem:s22+$0x4380];
	[tilespmem:s22+$0x4000] =	vst v16;
	v9 =	vadd.f32 v9, v13  }
0x89: {  	[tilespmem:s22+$0x4080] =	vst v10;
	v8 =	vadd.f32 v8, v11  }
0x8a: {  	[tilespmem:s22+$0x4100] =	vst v9;
	v7 =	vadd.f32 v7, v12  }
0x8b: {  	[tilespmem:s22+$0x4180] =	vst v8;
	v6 =	vadd.f32 v6, v15  }
0x8c: {  	[tilespmem:s22+$0x4200] =	vst v7;
	v5 =	vadd.f32 v5, v62  }
0x8d: {  	s20 =	sadd.s32 $0x1, s20;
	v4 =	vadd.f32 v4, v63;
	[tilespmem:s22+$0x4280] =	vst v6  }
0x8e: {  	p0 =	sne.s32 s20, $0x4;
	[tilespmem:s22+$0x4300] =	vst v5  }
.Ltmp1:
0x8f: {  	s21 =	sadd.s32 s6, s21;
	[tilespmem:s22+$0x4380] =	vst v4;
	(pc) =	sbr.rel @p0 .LBB2_3-.Ltmp1, $4  }
0x90: {  	[hbm4b:s21+s2] =	stream.linear.scatter [tilespmem:s2], [sflag:$0x1], $0x8000, $0x38;
	[tilespmem:$0x10100] =	vst v63  }
0x91: {  	_ =	swait.ge [sflag:s15], $0x8000  }
0x92: {  	[sflag:s15] =	ssyncset.done $0x0  }
0x93: {  	[sflag:s15] =	ssyncadd.s32 $0xFFFF8000  }
0x94: {  	s17 =	sadd.s32 $0x1, s17  }
0x95: {  	p0 =	sne.s32 s17, $0x10  }
.Ltmp2:
0x96: {  	_ = 	snop;
	(pc) =	sbr.rel @p0 .LBB2_2-.Ltmp2, $1  }
0x97: {  	_ =	sdelay $0x3  }
0x98: {  	s18 =	rddreg [dreg:$0x5]  }
0x99: {  	s17 =	rddreg [dreg:$0x4];
	s18 =	sadd.s32 $0x1, s18  }
0x9a: {  	p0 =	sne.s32 s18, s17  }
.Ltmp3:
0x9b: {  	_ = 	snop;
	(pc) =	sbr.rel @p0 .LBB2_1-.Ltmp3, $1  }
0x9c: {  	_ =	sdelay $0x3  }
0x9d: {  	_ =	sfence.sel $0x180000  }
0x9e: {  	[bflag:$0x0] =	sbarrier.arrive $0xFFFF  }
0x9f: {  	_ =	strace $0x90000047  }
0xa0: {  	s0 =	stileid.u32;
	[bflag:$0x2] =	sbarrier.arrive $0xFFFF  }
0xa1: {  	p0 =	sne.s32 s0, $0x0;
	s0 =	rddreg [dreg:$0x2]  }
0xa2: {  	s0 =	sadd.s32 @!p0 $0x100000, s0  }
0xa3: {  	[sflag:s0] =	ssyncadd.tile.s32 @!p0 $0x1;
	_ =	shalt  }
.Lfunc_end2:
_tile_overlayer_lowered:
.L_overlay_start_2:
0xa4: {  	(tag) =	ssettag $0x2  }
0xa5: {  	s0 =	rddreg [dreg:$0x0];
	s2 =	stileid.u32  }
0xa6: {  	s1 =	rddreg [dreg:$0x1];
	p0 =	sne.s32 s2, $0x0  }
0xa7: {  	s3 =	rddreg [dreg:$0x2];
	[bflag:$0x3] =	sbarrier.arrive $0xFFFF;
	s2 =	simm.s32 @!p0 $0x1C03  }
0xa8: {  	[timem:s3], [sflag:s2] =	dma.local @!p0 [hbm:s0], s1  }
0xa9: {  	s0 =	simm.s32 @!p0 $0x3  }
0xaa: {  	_ =	swait.ge @!p0 [sflag:s0], s1  }
0xab: {  	s1 =	ssub.s32 @!p0 $0x0, s1;
	[sflag:s0] =	ssyncset.done @!p0 $0x0  }
0xac: {  	[sflag:s0] =	ssyncadd.s32 @!p0 s1  }
0xad: {  	[bflag:$0x3] =	sbarrier.arrive $0xFFFF  }
0xae: {  	_ =	shalt  }

</sc_bundles>
